<compile_context>
chip_gen: v7x
topology: tpu7x:2x2x1
jax: 0.10.2.dev20260603
libtpu: 0.0.44.dev20260713+nightly
codegen_flags: <defaults>
</compile_context>

<pallas_src>
import functools

import jax
import jax.numpy as jnp
from jax import lax
from jax.experimental import pallas as pl
from jax.experimental.pallas import tpu as pltpu
from jax.experimental.pallas import tpu_sc as plsc

NC = 2
NS = 16
NW = NC * NS
LANES = 16
CHUNK = 128


def _deg_body(nch, rpw, dst_hbm, zeros_hbm, ones_hbm, out_hbm, dst_v, ones_v, acc, dsem):
    c = lax.axis_index("c")
    s = lax.axis_index("s")
    wid = c * NS + s
    row0 = s * rpw
    pltpu.sync_copy(dst_hbm.at[wid], dst_v)
    pltpu.sync_copy(ones_hbm, ones_v)
    pltpu.sync_copy(zeros_hbm, acc.at[pl.ds(row0, rpw)])
    plsc.subcore_barrier()

    def fire(j, carry):
        pltpu.async_copy(ones_v, acc.at[dst_v.at[j]], dsem, add=True)
        return carry

    lax.fori_loop(0, nch, fire, 0)

    def drain(j, carry):
        pltpu.make_async_copy(ones_v, acc.at[dst_v.at[j]], dsem).wait()
        return carry

    lax.fori_loop(0, nch, drain, 0)
    plsc.subcore_barrier()
    pltpu.sync_copy(acc.at[pl.ds(row0, rpw)], out_hbm.at[c].at[pl.ds(row0, rpw)])


def _msg_body(nch, rpw, src_hbm, dst_hbm, hs_hbm, out_hbm,
              src_v, dst_v, buf0, buf1, acc, gsem0, gsem1, ssem0, ssem1):
    c = lax.axis_index("c")
    s = lax.axis_index("s")
    wid = c * NS + s
    row0 = s * rpw
    pltpu.sync_copy(hs_hbm.at[pl.ds(row0, rpw)], acc.at[pl.ds(row0, rpw)])
    plsc.subcore_barrier()

    half = nch // 2
    bufs = (buf0, buf1)
    gsems = (gsem0, gsem1)
    ssems = (ssem0, ssem1)
    for h in range(2):
        pltpu.sync_copy(src_hbm.at[2 * wid + h], src_v)
        pltpu.sync_copy(dst_hbm.at[2 * wid + h], dst_v)
        pltpu.async_copy(hs_hbm.at[src_v.at[0]], buf0, gsem0)
        pltpu.async_copy(hs_hbm.at[src_v.at[1]], buf1, gsem1)

        def step(t, carry):
            j = 2 * t
            for jj in range(2):
                k = j + jj
                pltpu.make_async_copy(hs_hbm.at[src_v.at[k]], bufs[jj], gsems[jj]).wait()
                pltpu.async_copy(bufs[jj], acc.at[dst_v.at[k]], ssems[jj], add=True)
            for jj in range(2):
                k = j + jj
                pltpu.make_async_copy(bufs[jj], acc.at[dst_v.at[k]], ssems[jj]).wait()

                @pl.when(k + 2 < half)
                def _():
                    pltpu.async_copy(hs_hbm.at[src_v.at[k + 2]], bufs[jj], gsems[jj])
            return carry

        lax.fori_loop(0, half // 2, step, 0)
    plsc.subcore_barrier()
    pltpu.sync_copy(acc.at[pl.ds(row0, rpw)], out_hbm.at[c].at[pl.ds(row0, rpw)])


def _mm_body(x_ref, w_ref, degp_ref, hs_ref):
    deg = jnp.sum(degp_ref[...], axis=0)[:, 0:1] + 1.0
    dinv = lax.rsqrt(deg)
    h = jnp.dot(x_ref[...], w_ref[...], preferred_element_type=jnp.float32)
    hs_ref[...] = h * dinv


def _pre_body(aggp_ref, hs_ref, degp_ref, b_ref, pre_ref, stats_ref):
    i = pl.program_id(0)
    deg = jnp.sum(degp_ref[...], axis=0)[:, 0:1] + 1.0
    dinv = lax.rsqrt(deg)
    agg = jnp.sum(aggp_ref[...], axis=0)
    pre = (agg - hs_ref[...]) * dinv + b_ref[...]
    pre_ref[...] = pre
    ssum = jnp.sum(pre, axis=0, keepdims=True)
    ssq = jnp.sum(pre * pre, axis=0, keepdims=True)
    st = jnp.concatenate([ssum, ssq], axis=0)

    @pl.when(i == 0)
    def _():
        stats_ref[...] = st

    @pl.when(i != 0)
    def _():
        stats_ref[...] = stats_ref[...] + st


def _bn_body(n, pre_ref, stats_ref, g_ref, be_ref, out_ref):
    mean = stats_ref[0:1, :] / n
    var = stats_ref[1:2, :] / n - mean * mean
    rstd = lax.rsqrt(var + 1e-5)
    out_ref[...] = jnp.tanh((pre_ref[...] - mean) * rstd * g_ref[...] + be_ref[...])


def _row_block(n):
    for cand in (1024, 1000, 512, 500, 400, 256, 200, 128, 80, 40, 16, 8):
        if n % cand == 0 and cand % 8 == 0:
            return cand
    return 8


def kernel(x, edge_index, W, b, gamma, beta):
    N, D = x.shape
    E = edge_index.shape[1]
    idt = edge_index.dtype

    N3 = ((N + 1 + 255) // 256) * 256
    rpw = N3 // NS
    nch = -(-E // (NW * CHUNK))
    nch = ((nch + 3) // 4) * 4
    e_pad = NW * nch * CHUNK
    epw = nch * CHUNK
    ew = E // NW
    rem = E - ew * NW
    pad_n = epw - ew
    sinks = N + 1 + (jnp.arange(NW * pad_n, dtype=idt).reshape(NW, pad_n) % (N3 - N - 1))
    srcw = jnp.concatenate(
        [edge_index[0][:ew * NW].reshape(NW, ew),
         jnp.full((NW, pad_n), N, idt)], axis=1)
    dstw = jnp.concatenate(
        [edge_index[1][:ew * NW].reshape(NW, ew), sinks], axis=1)
    if rem:
        srcw = srcw.at[0, ew:ew + rem].set(edge_index[0][ew * NW:])
        dstw = dstw.at[0, ew:ew + rem].set(edge_index[1][ew * NW:])
    src_p = srcw.reshape(NW, nch, CHUNK)
    dst_p = dstw.reshape(NW, nch, CHUNK)
    src_p2 = srcw.reshape(NW * 2, nch // 2, CHUNK)
    dst_p2 = dstw.reshape(NW * 2, nch // 2, CHUNK)
    x_p = jnp.concatenate([x, jnp.zeros((N3 - N, D), x.dtype)], axis=0)

    deg_zero = jnp.zeros((rpw, D), jnp.float32)
    deg_ones = jnp.ones((CHUNK, D), jnp.float32)

    mesh = plsc.VectorSubcoreMesh(core_axis_name="c", subcore_axis_name="s")

    deg_call = pl.kernel(
        functools.partial(_deg_body, nch, rpw),
        out_type=jax.ShapeDtypeStruct((NC, N3, D), jnp.float32),
        mesh=mesh,
        scratch_types=[
            pltpu.VMEM((nch, CHUNK), jnp.int32),
            pltpu.VMEM((CHUNK, D), jnp.float32),
            pltpu.VMEM_SHARED((N3, D), jnp.float32),
            pltpu.SemaphoreType.DMA,
        ],
    )
    degp = deg_call(dst_p, deg_zero, deg_ones)

    BR = 256
    hs = pl.pallas_call(
        _mm_body,
        grid=(N3 // BR,),
        in_specs=[
            pl.BlockSpec((BR, D), lambda i: (i, 0)),
            pl.BlockSpec((D, D), lambda i: (0, 0)),
            pl.BlockSpec((NC, BR, D), lambda i: (0, i, 0)),
        ],
        out_specs=pl.BlockSpec((BR, D), lambda i: (i, 0)),
        out_shape=jax.ShapeDtypeStruct((N3, D), jnp.float32),
    )(x_p, W, degp)

    msg_call = pl.kernel(
        functools.partial(_msg_body, nch, rpw),
        out_type=jax.ShapeDtypeStruct((NC, N3, D), jnp.float32),
        mesh=mesh,
        scratch_types=[
            pltpu.VMEM((nch // 2, CHUNK), jnp.int32),
            pltpu.VMEM((nch // 2, CHUNK), jnp.int32),
            pltpu.VMEM((CHUNK, D), jnp.float32),
            pltpu.VMEM((CHUNK, D), jnp.float32),
            pltpu.VMEM_SHARED((N3, D), jnp.float32),
            pltpu.SemaphoreType.DMA,
            pltpu.SemaphoreType.DMA,
            pltpu.SemaphoreType.DMA,
            pltpu.SemaphoreType.DMA,
        ],
    )
    aggp = msg_call(src_p2, dst_p2, hs)

    BB = _row_block(N)
    nb = N // BB
    pre, stats = pl.pallas_call(
        _pre_body,
        grid=(nb,),
        in_specs=[
            pl.BlockSpec((NC, BB, D), lambda i: (0, i, 0)),
            pl.BlockSpec((BB, D), lambda i: (i, 0)),
            pl.BlockSpec((NC, BB, D), lambda i: (0, i, 0)),
            pl.BlockSpec((1, D), lambda i: (0, 0)),
        ],
        out_specs=[
            pl.BlockSpec((BB, D), lambda i: (i, 0)),
            pl.BlockSpec((2, D), lambda i: (0, 0)),
        ],
        out_shape=[
            jax.ShapeDtypeStruct((N, D), jnp.float32),
            jax.ShapeDtypeStruct((2, D), jnp.float32),
        ],
    )(aggp, hs, degp, b.reshape(1, D))

    out = pl.pallas_call(
        functools.partial(_bn_body, float(N)),
        grid=(nb,),
        in_specs=[
            pl.BlockSpec((BB, D), lambda i: (i, 0)),
            pl.BlockSpec((2, D), lambda i: (0, 0)),
            pl.BlockSpec((1, D), lambda i: (0, 0)),
            pl.BlockSpec((1, D), lambda i: (0, 0)),
        ],
        out_specs=pl.BlockSpec((BB, D), lambda i: (i, 0)),
        out_shape=jax.ShapeDtypeStruct((N, D), jnp.float32),
    )(pre, stats, gamma.reshape(1, D), beta.reshape(1, D))
    return out

# --- scband reference (transcript-rebuilt; emitter-appended) ---
"""Pipeline reference for scband-graph-encoder-53584011985720 (READ-ONLY COPY).

The authoritative reference and input builder live on the scoring server;
editing this copy changes nothing except your own understanding.
"""

import jax, jax.numpy as jnp
import numpy as np

N = 10000
E = 320000
D = 128  # hidden_size = hidden_dim (is_bi_rnn=False)


def setup_inputs(seed: int = 0) -> dict:
    key = jax.random.key(seed)
    k1, k2, k3 = jax.random.split(key, 3)
    x = jax.random.normal(k1, (N, D), dtype=jnp.float32)
    edge_index = jax.random.randint(k2, (2, E), 0, N, dtype=jnp.int32)
    W = jax.random.normal(k3, (D, D), dtype=jnp.float32) * 0.05
    b = jnp.zeros((D,), dtype=jnp.float32)
    gamma = jnp.ones((D,), dtype=jnp.float32)
    beta = jnp.zeros((D,), dtype=jnp.float32)
    return {"x": x, "edge_index": edge_index, "W": W, "b": b, "gamma": gamma, "beta": beta}


def reference(x, edge_index, W, b, gamma, beta):
    n = x.shape[0]
    # GCNConv: add self-loops, symmetric normalization D^{-1/2}(A+I)D^{-1/2} X W + b
    loop = jnp.arange(n, dtype=edge_index.dtype)
    src = jnp.concatenate([edge_index[0], loop])
    dst = jnp.concatenate([edge_index[1], loop])
    deg = jnp.zeros((n,), dtype=x.dtype).at[dst].add(1.0)
    dinv = jnp.where(deg > 0, 1.0 / jnp.sqrt(deg), 0.0)
    norm = dinv[src] * dinv[dst]
    h = x @ W
    msg = jnp.take(h, src, axis=0) * norm[:, None]
    out = jax.ops.segment_sum(msg, dst, num_segments=n) + b
    # BatchNorm1d (training-mode batch statistics, biased variance, eps=1e-5)
    mean = jnp.mean(out, axis=0)
    var = jnp.var(out, axis=0)
    out = (out - mean) / jnp.sqrt(var + 1e-5) * gamma + beta
    return jnp.tanh(out)

if __name__ == "__main__":
    import jax
    _d = setup_inputs()
    print(jax.jit(kernel)(*tuple(_d.values())))

</pallas_src>

<mosaic_0001>
#map = affine_map<(d0, d1) -> (0, 0, 0)>
#map1 = affine_map<(d0, d1) -> (0, 0)>
module attributes {stable_mosaic.version = 14 : i64} {
  func.func @_deg_body(%arg0: i32, %arg1: i32, %arg2: memref<32x80x128xi32, #tpu.memory_space<hbm>>, %arg3: memref<640x128xf32, #tpu.memory_space<hbm>>, %arg4: memref<128x128xf32, #tpu.memory_space<hbm>>, %arg5: memref<2x10240x128xf32, #tpu.memory_space<hbm>>, %arg6: memref<80x128xi32, #tpu.memory_space<vmem>>, %arg7: memref<128x128xf32, #tpu.memory_space<vmem>>, %arg8: memref<10240x128xf32, #tpu.memory_space<vmem_shared>>, %arg9: memref<!tpu.dma_semaphore, #tpu.memory_space<semaphore_mem>>) attributes {dimension_semantics = [#tpu.dimension_semantics<core_parallel>, #tpu.dimension_semantics<subcore_parallel>], iteration_bounds = array<i64: 2, 16>, scalar_prefetch = 0 : i64, scratch_operands = 4 : i64, tpu.core_type = #tpu.core_type<sc_vector_subcore>, window_params = [{transform_indices = #map}, {transform_indices = #map1}, {transform_indices = #map1}, {transform_indices = #map}]} {
    %mul3A = arith.constant 16 : i32
    %mul3A_0 = arith.muli %arg0, %mul3A : i32
    %add3A = arith.addi %mul3A_0, %arg1 : i32
    %mul3A_1 = arith.constant 640 : i32
    %mul3A_2 = arith.muli %arg1, %mul3A_1 : i32
    "tpu.region"() ({
      %run_scoped3A = tpu.sem_alloc : memref<!tpu.dma_semaphore, #tpu.memory_space<semaphore_mem>>
      %dma_start3A = arith.constant 0 : i32
      %dma_start3A_15 = arith.constant 0 : i32
      %dma_start3A_16 = tpu.memref_slice %arg2[%add3A, %dma_start3A, %dma_start3A_15] : memref<32x80x128xi32, #tpu.memory_space<hbm>> -> memref<1x80x128xi32, #tpu.memory_space<hbm>>
      %dma_start3A_17 = tpu.memref_squeeze %dma_start3A_16 : memref<1x80x128xi32, #tpu.memory_space<hbm>> -> memref<80x128xi32, #tpu.memory_space<hbm>>
      %dma_start3A_18 = arith.constant 0 : i32
      %dma_start3A_19 = arith.constant 0 : i32
      %dma_start3A_20 = tpu.memref_slice %arg2[%add3A, %dma_start3A_18, %dma_start3A_19] : memref<32x80x128xi32, #tpu.memory_space<hbm>> -> memref<1x80x128xi32, #tpu.memory_space<hbm>>
      %dma_start3A_21 = tpu.memref_squeeze %dma_start3A_20 : memref<1x80x128xi32, #tpu.memory_space<hbm>> -> memref<80x128xi32, #tpu.memory_space<hbm>>
      tpu.enqueue_dma source(%dma_start3A_21 : memref<80x128xi32, #tpu.memory_space<hbm>>) target(%arg6 : memref<80x128xi32, #tpu.memory_space<vmem>>) target_semaphore(%run_scoped3A : memref<!tpu.dma_semaphore, #tpu.memory_space<semaphore_mem>>)
      %dma_wait3A = arith.constant 0 : i32
      %dma_wait3A_22 = arith.constant 0 : i32
      %dma_wait3A_23 = tpu.memref_slice %arg2[%add3A, %dma_wait3A, %dma_wait3A_22] : memref<32x80x128xi32, #tpu.memory_space<hbm>> -> memref<1x80x128xi32, #tpu.memory_space<hbm>>
      %dma_wait3A_24 = tpu.memref_squeeze %dma_wait3A_23 : memref<1x80x128xi32, #tpu.memory_space<hbm>> -> memref<80x128xi32, #tpu.memory_space<hbm>>
      %dma_wait3A_25 = arith.constant 0 : i32
      %dma_wait3A_26 = arith.constant 0 : i32
      %dma_wait3A_27 = tpu.memref_slice %arg2[%add3A, %dma_wait3A_25, %dma_wait3A_26] : memref<32x80x128xi32, #tpu.memory_space<hbm>> -> memref<1x80x128xi32, #tpu.memory_space<hbm>>
      %dma_wait3A_28 = tpu.memref_squeeze %dma_wait3A_27 : memref<1x80x128xi32, #tpu.memory_space<hbm>> -> memref<80x128xi32, #tpu.memory_space<hbm>>
      tpu.wait_dma2 semaphore(%run_scoped3A : memref<!tpu.dma_semaphore, #tpu.memory_space<semaphore_mem>>) src(%dma_wait3A_28 : memref<80x128xi32, #tpu.memory_space<hbm>>) dst(%arg6 : memref<80x128xi32, #tpu.memory_space<vmem>>)
      tpu.yield
    }) : () -> ()
    "tpu.region"() ({
      %run_scoped3A = tpu.sem_alloc : memref<!tpu.dma_semaphore, #tpu.memory_space<semaphore_mem>>
      tpu.enqueue_dma source(%arg4 : memref<128x128xf32, #tpu.memory_space<hbm>>) target(%arg7 : memref<128x128xf32, #tpu.memory_space<vmem>>) target_semaphore(%run_scoped3A : memref<!tpu.dma_semaphore, #tpu.memory_space<semaphore_mem>>)
      tpu.wait_dma2 semaphore(%run_scoped3A : memref<!tpu.dma_semaphore, #tpu.memory_space<semaphore_mem>>) src(%arg4 : memref<128x128xf32, #tpu.memory_space<hbm>>) dst(%arg7 : memref<128x128xf32, #tpu.memory_space<vmem>>)
      tpu.yield
    }) : () -> ()
    "tpu.region"() ({
      %run_scoped3A = tpu.sem_alloc : memref<!tpu.dma_semaphore, #tpu.memory_space<semaphore_mem>>
      %dma_start3A = arith.constant 0 : i32
      %dma_start3A_15 = tpu.memref_slice %arg8[%mul3A_2, %dma_start3A] : memref<10240x128xf32, #tpu.memory_space<vmem_shared>> -> memref<640x128xf32, #tpu.memory_space<vmem_shared>>
      tpu.enqueue_dma source(%arg3 : memref<640x128xf32, #tpu.memory_space<hbm>>) target(%dma_start3A_15 : memref<640x128xf32, #tpu.memory_space<vmem_shared>>) target_semaphore(%run_scoped3A : memref<!tpu.dma_semaphore, #tpu.memory_space<semaphore_mem>>)
      %dma_wait3A = arith.constant 0 : i32
      %dma_wait3A_16 = tpu.memref_slice %arg8[%mul3A_2, %dma_wait3A] : memref<10240x128xf32, #tpu.memory_space<vmem_shared>> -> memref<640x128xf32, #tpu.memory_space<vmem_shared>>
      tpu.wait_dma2 semaphore(%run_scoped3A : memref<!tpu.dma_semaphore, #tpu.memory_space<semaphore_mem>>) src(%arg3 : memref<640x128xf32, #tpu.memory_space<hbm>>) dst(%dma_wait3A_16 : memref<640x128xf32, #tpu.memory_space<vmem_shared>>)
      tpu.yield
    }) : () -> ()
    %barrier3A = arith.constant 0 : index
    tpu.barrier barrier_id(%barrier3A)
    %scan3A = arith.constant 0 : i32
    %scan3A_3 = arith.constant 0 : i32
    %scan3A_4 = arith.constant 80 : i32
    %scan3A_5 = arith.addi %scan3A_3, %scan3A_4 : i32
    %scan3A_6 = arith.constant 1 : i32
    scf.for %scan3A_15 = %scan3A_3 to %scan3A_5 step %scan3A_6  : i32 {
      %dma_start3A = arith.constant 0 : i32
      %dma_start3A_16 = tpu.memref_slice %arg6[%scan3A_15, %dma_start3A] : memref<80x128xi32, #tpu.memory_space<vmem>> -> memref<1x128xi32, #tpu.memory_space<vmem>>
      %dma_start3A_17 = tpu.memref_squeeze %dma_start3A_16 : memref<1x128xi32, #tpu.memory_space<vmem>> -> memref<128xi32, #tpu.memory_space<vmem>>
      %dma_start3A_18 = arith.constant 0 : i32
      %dma_start3A_19 = arith.constant 0 : i32
      %dma_start3A_20 = tpu.memref_slice %arg8[%dma_start3A_18, %dma_start3A_19] : memref<10240x128xf32, #tpu.memory_space<vmem_shared>> -> memref<10240x128xf32, #tpu.memory_space<vmem_shared>>
      tpu.enqueue_indirect_dma source(%arg7 : memref<128x128xf32, #tpu.memory_space<vmem>>) target(%dma_start3A_20 : memref<10240x128xf32, #tpu.memory_space<vmem_shared>>) offsets(%dma_start3A_17 : memref<128xi32, #tpu.memory_space<vmem>>) semaphore(%arg9 : memref<!tpu.dma_semaphore, #tpu.memory_space<semaphore_mem>>) {add = true}
    }
    %scan3A_7 = arith.constant 80 : i32
    %scan3A_8 = arith.constant 0 : i32
    %scan3A_9 = arith.constant 0 : i32
    %scan3A_10 = arith.constant 80 : i32
    %scan3A_11 = arith.addi %scan3A_9, %scan3A_10 : i32
    %scan3A_12 = arith.constant 1 : i32
    scf.for %scan3A_15 = %scan3A_9 to %scan3A_11 step %scan3A_12  : i32 {
      %dma_wait3A = arith.constant 0 : i32
      %dma_wait3A_16 = tpu.memref_slice %arg6[%scan3A_15, %dma_wait3A] : memref<80x128xi32, #tpu.memory_space<vmem>> -> memref<1x128xi32, #tpu.memory_space<vmem>>
      %dma_wait3A_17 = tpu.memref_squeeze %dma_wait3A_16 : memref<1x128xi32, #tpu.memory_space<vmem>> -> memref<128xi32, #tpu.memory_space<vmem>>
      %dma_wait3A_18 = arith.constant 0 : i32
      %dma_wait3A_19 = arith.constant 0 : i32
      %dma_wait3A_20 = tpu.memref_slice %arg8[%dma_wait3A_18, %dma_wait3A_19] : memref<10240x128xf32, #tpu.memory_space<vmem_shared>> -> memref<10240x128xf32, #tpu.memory_space<vmem_shared>>
      tpu.wait_indirect_dma semaphore(%arg9 : memref<!tpu.dma_semaphore, #tpu.memory_space<semaphore_mem>>) src(%arg7 : memref<128x128xf32, #tpu.memory_space<vmem>>) dst(%dma_wait3A_20 : memref<10240x128xf32, #tpu.memory_space<vmem_shared>>)
    }
    %scan3A_13 = arith.constant 80 : i32
    %barrier3A_14 = arith.constant 0 : index
    tpu.barrier barrier_id(%barrier3A_14)
    "tpu.region"() ({
      %run_scoped3A = tpu.sem_alloc : memref<!tpu.dma_semaphore, #tpu.memory_space<semaphore_mem>>
      %dma_start3A = arith.constant 0 : i32
      %dma_start3A_15 = arith.constant 0 : i32
      %dma_start3A_16 = tpu.memref_slice %arg5[%arg0, %dma_start3A, %dma_start3A_15] : memref<2x10240x128xf32, #tpu.memory_space<hbm>> -> memref<1x10240x128xf32, #tpu.memory_space<hbm>>
      %dma_start3A_17 = tpu.memref_squeeze %dma_start3A_16 : memref<1x10240x128xf32, #tpu.memory_space<hbm>> -> memref<10240x128xf32, #tpu.memory_space<hbm>>
      %dma_start3A_18 = arith.constant 0 : i32
      %dma_start3A_19 = tpu.memref_slice %dma_start3A_17[%mul3A_2, %dma_start3A_18] : memref<10240x128xf32, #tpu.memory_space<hbm>> -> memref<640x128xf32, #tpu.memory_space<hbm>>
      %dma_start3A_20 = arith.constant 0 : i32
      %dma_start3A_21 = tpu.memref_slice %arg8[%mul3A_2, %dma_start3A_20] : memref<10240x128xf32, #tpu.memory_space<vmem_shared>> -> memref<640x128xf32, #tpu.memory_space<vmem_shared>>
      tpu.enqueue_dma source(%dma_start3A_21 : memref<640x128xf32, #tpu.memory_space<vmem_shared>>) target(%dma_start3A_19 : memref<640x128xf32, #tpu.memory_space<hbm>>) target_semaphore(%run_scoped3A : memref<!tpu.dma_semaphore, #tpu.memory_space<semaphore_mem>>)
      %dma_wait3A = arith.constant 0 : i32
      %dma_wait3A_22 = arith.constant 0 : i32
      %dma_wait3A_23 = tpu.memref_slice %arg5[%arg0, %dma_wait3A, %dma_wait3A_22] : memref<2x10240x128xf32, #tpu.memory_space<hbm>> -> memref<1x10240x128xf32, #tpu.memory_space<hbm>>
      %dma_wait3A_24 = tpu.memref_squeeze %dma_wait3A_23 : memref<1x10240x128xf32, #tpu.memory_space<hbm>> -> memref<10240x128xf32, #tpu.memory_space<hbm>>
      %dma_wait3A_25 = arith.constant 0 : i32
      %dma_wait3A_26 = tpu.memref_slice %dma_wait3A_24[%mul3A_2, %dma_wait3A_25] : memref<10240x128xf32, #tpu.memory_space<hbm>> -> memref<640x128xf32, #tpu.memory_space<hbm>>
      %dma_wait3A_27 = arith.constant 0 : i32
      %dma_wait3A_28 = tpu.memref_slice %arg8[%mul3A_2, %dma_wait3A_27] : memref<10240x128xf32, #tpu.memory_space<vmem_shared>> -> memref<640x128xf32, #tpu.memory_space<vmem_shared>>
      tpu.wait_dma2 semaphore(%run_scoped3A : memref<!tpu.dma_semaphore, #tpu.memory_space<semaphore_mem>>) src(%dma_wait3A_28 : memref<640x128xf32, #tpu.memory_space<vmem_shared>>) dst(%dma_wait3A_26 : memref<640x128xf32, #tpu.memory_space<hbm>>)
      tpu.yield
    }) : () -> ()
    return
  }
}

#map = affine_map<(d0, d1) -> (0, 0, 0)>
#map1 = affine_map<(d0, d1) -> (0, 0)>
module attributes {stable_mosaic.version = 14 : i64} {
  func.func @_msg_body(%arg0: i32, %arg1: i32, %arg2: memref<64x40x128xi32, #tpu.memory_space<hbm>>, %arg3: memref<64x40x128xi32, #tpu.memory_space<hbm>>, %arg4: memref<10240x128xf32, #tpu.memory_space<hbm>>, %arg5: memref<2x10240x128xf32, #tpu.memory_space<hbm>>, %arg6: memref<40x128xi32, #tpu.memory_space<vmem>>, %arg7: memref<40x128xi32, #tpu.memory_space<vmem>>, %arg8: memref<128x128xf32, #tpu.memory_space<vmem>>, %arg9: memref<128x128xf32, #tpu.memory_space<vmem>>, %arg10: memref<10240x128xf32, #tpu.memory_space<vmem_shared>>, %arg11: memref<!tpu.dma_semaphore, #tpu.memory_space<semaphore_mem>>, %arg12: memref<!tpu.dma_semaphore, #tpu.memory_space<semaphore_mem>>, %arg13: memref<!tpu.dma_semaphore, #tpu.memory_space<semaphore_mem>>, %arg14: memref<!tpu.dma_semaphore, #tpu.memory_space<semaphore_mem>>) attributes {dimension_semantics = [#tpu.dimension_semantics<core_parallel>, #tpu.dimension_semantics<subcore_parallel>], iteration_bounds = array<i64: 2, 16>, scalar_prefetch = 0 : i64, scratch_operands = 9 : i64, tpu.core_type = #tpu.core_type<sc_vector_subcore>, window_params = [{transform_indices = #map}, {transform_indices = #map}, {transform_indices = #map1}, {transform_indices = #map}]} {
    %mul3A = arith.constant 16 : i32
    %mul3A_0 = arith.muli %arg0, %mul3A : i32
    %add3A = arith.addi %mul3A_0, %arg1 : i32
    %mul3A_1 = arith.constant 640 : i32
    %mul3A_2 = arith.muli %arg1, %mul3A_1 : i32
    "tpu.region"() ({
      %run_scoped3A = tpu.sem_alloc : memref<!tpu.dma_semaphore, #tpu.memory_space<semaphore_mem>>
      %dma_start3A_58 = arith.constant 0 : i32
      %dma_start3A_59 = tpu.memref_slice %arg10[%mul3A_2, %dma_start3A_58] : memref<10240x128xf32, #tpu.memory_space<vmem_shared>> -> memref<640x128xf32, #tpu.memory_space<vmem_shared>>
      %dma_start3A_60 = arith.constant 0 : i32
      %dma_start3A_61 = tpu.memref_slice %arg4[%mul3A_2, %dma_start3A_60] : memref<10240x128xf32, #tpu.memory_space<hbm>> -> memref<640x128xf32, #tpu.memory_space<hbm>>
      tpu.enqueue_dma source(%dma_start3A_61 : memref<640x128xf32, #tpu.memory_space<hbm>>) target(%dma_start3A_59 : memref<640x128xf32, #tpu.memory_space<vmem_shared>>) target_semaphore(%run_scoped3A : memref<!tpu.dma_semaphore, #tpu.memory_space<semaphore_mem>>)
      %dma_wait3A = arith.constant 0 : i32
      %dma_wait3A_62 = tpu.memref_slice %arg10[%mul3A_2, %dma_wait3A] : memref<10240x128xf32, #tpu.memory_space<vmem_shared>> -> memref<640x128xf32, #tpu.memory_space<vmem_shared>>
      %dma_wait3A_63 = arith.constant 0 : i32
      %dma_wait3A_64 = tpu.memref_slice %arg4[%mul3A_2, %dma_wait3A_63] : memref<10240x128xf32, #tpu.memory_space<hbm>> -> memref<640x128xf32, #tpu.memory_space<hbm>>
      tpu.wait_dma2 semaphore(%run_scoped3A : memref<!tpu.dma_semaphore, #tpu.memory_space<semaphore_mem>>) src(%dma_wait3A_64 : memref<640x128xf32, #tpu.memory_space<hbm>>) dst(%dma_wait3A_62 : memref<640x128xf32, #tpu.memory_space<vmem_shared>>)
      tpu.yield
    }) : () -> ()
    %barrier3A = arith.constant 0 : index
    tpu.barrier barrier_id(%barrier3A)
    %mul3A_3 = arith.constant 2 : i32
    %mul3A_4 = arith.muli %mul3A_3, %add3A : i32
    %add3A_5 = arith.constant 0 : i32
    %add3A_6 = arith.addi %mul3A_4, %add3A_5 : i32
    "tpu.region"() ({
      %run_scoped3A = tpu.sem_alloc : memref<!tpu.dma_semaphore, #tpu.memory_space<semaphore_mem>>
      %dma_start3A_58 = arith.constant 0 : i32
      %dma_start3A_59 = arith.constant 0 : i32
      %dma_start3A_60 = tpu.memref_slice %arg2[%add3A_6, %dma_start3A_58, %dma_start3A_59] : memref<64x40x128xi32, #tpu.memory_space<hbm>> -> memref<1x40x128xi32, #tpu.memory_space<hbm>>
      %dma_start3A_61 = tpu.memref_squeeze %dma_start3A_60 : memref<1x40x128xi32, #tpu.memory_space<hbm>> -> memref<40x128xi32, #tpu.memory_space<hbm>>
      %dma_start3A_62 = arith.constant 0 : i32
      %dma_start3A_63 = arith.constant 0 : i32
      %dma_start3A_64 = tpu.memref_slice %arg2[%add3A_6, %dma_start3A_62, %dma_start3A_63] : memref<64x40x128xi32, #tpu.memory_space<hbm>> -> memref<1x40x128xi32, #tpu.memory_space<hbm>>
      %dma_start3A_65 = tpu.memref_squeeze %dma_start3A_64 : memref<1x40x128xi32, #tpu.memory_space<hbm>> -> memref<40x128xi32, #tpu.memory_space<hbm>>
      tpu.enqueue_dma source(%dma_start3A_65 : memref<40x128xi32, #tpu.memory_space<hbm>>) target(%arg6 : memref<40x128xi32, #tpu.memory_space<vmem>>) target_semaphore(%run_scoped3A : memref<!tpu.dma_semaphore, #tpu.memory_space<semaphore_mem>>)
      %dma_wait3A = arith.constant 0 : i32
      %dma_wait3A_66 = arith.constant 0 : i32
      %dma_wait3A_67 = tpu.memref_slice %arg2[%add3A_6, %dma_wait3A, %dma_wait3A_66] : memref<64x40x128xi32, #tpu.memory_space<hbm>> -> memref<1x40x128xi32, #tpu.memory_space<hbm>>
      %dma_wait3A_68 = tpu.memref_squeeze %dma_wait3A_67 : memref<1x40x128xi32, #tpu.memory_space<hbm>> -> memref<40x128xi32, #tpu.memory_space<hbm>>
      %dma_wait3A_69 = arith.constant 0 : i32
      %dma_wait3A_70 = arith.constant 0 : i32
      %dma_wait3A_71 = tpu.memref_slice %arg2[%add3A_6, %dma_wait3A_69, %dma_wait3A_70] : memref<64x40x128xi32, #tpu.memory_space<hbm>> -> memref<1x40x128xi32, #tpu.memory_space<hbm>>
      %dma_wait3A_72 = tpu.memref_squeeze %dma_wait3A_71 : memref<1x40x128xi32, #tpu.memory_space<hbm>> -> memref<40x128xi32, #tpu.memory_space<hbm>>
      tpu.wait_dma2 semaphore(%run_scoped3A : memref<!tpu.dma_semaphore, #tpu.memory_space<semaphore_mem>>) src(%dma_wait3A_72 : memref<40x128xi32, #tpu.memory_space<hbm>>) dst(%arg6 : memref<40x128xi32, #tpu.memory_space<vmem>>)
      tpu.yield
    }) : () -> ()
    %mul3A_7 = arith.constant 2 : i32
    %mul3A_8 = arith.muli %mul3A_7, %add3A : i32
    %add3A_9 = arith.constant 0 : i32
    %add3A_10 = arith.addi %mul3A_8, %add3A_9 : i32
    "tpu.region"() ({
      %run_scoped3A = tpu.sem_alloc : memref<!tpu.dma_semaphore, #tpu.memory_space<semaphore_mem>>
      %dma_start3A_58 = arith.constant 0 : i32
      %dma_start3A_59 = arith.constant 0 : i32
      %dma_start3A_60 = tpu.memref_slice %arg3[%add3A_10, %dma_start3A_58, %dma_start3A_59] : memref<64x40x128xi32, #tpu.memory_space<hbm>> -> memref<1x40x128xi32, #tpu.memory_space<hbm>>
      %dma_start3A_61 = tpu.memref_squeeze %dma_start3A_60 : memref<1x40x128xi32, #tpu.memory_space<hbm>> -> memref<40x128xi32, #tpu.memory_space<hbm>>
      %dma_start3A_62 = arith.constant 0 : i32
      %dma_start3A_63 = arith.constant 0 : i32
      %dma_start3A_64 = tpu.memref_slice %arg3[%add3A_10, %dma_start3A_62, %dma_start3A_63] : memref<64x40x128xi32, #tpu.memory_space<hbm>> -> memref<1x40x128xi32, #tpu.memory_space<hbm>>
      %dma_start3A_65 = tpu.memref_squeeze %dma_start3A_64 : memref<1x40x128xi32, #tpu.memory_space<hbm>> -> memref<40x128xi32, #tpu.memory_space<hbm>>
      tpu.enqueue_dma source(%dma_start3A_65 : memref<40x128xi32, #tpu.memory_space<hbm>>) target(%arg7 : memref<40x128xi32, #tpu.memory_space<vmem>>) target_semaphore(%run_scoped3A : memref<!tpu.dma_semaphore, #tpu.memory_space<semaphore_mem>>)
      %dma_wait3A = arith.constant 0 : i32
      %dma_wait3A_66 = arith.constant 0 : i32
      %dma_wait3A_67 = tpu.memref_slice %arg3[%add3A_10, %dma_wait3A, %dma_wait3A_66] : memref<64x40x128xi32, #tpu.memory_space<hbm>> -> memref<1x40x128xi32, #tpu.memory_space<hbm>>
      %dma_wait3A_68 = tpu.memref_squeeze %dma_wait3A_67 : memref<1x40x128xi32, #tpu.memory_space<hbm>> -> memref<40x128xi32, #tpu.memory_space<hbm>>
      %dma_wait3A_69 = arith.constant 0 : i32
      %dma_wait3A_70 = arith.constant 0 : i32
      %dma_wait3A_71 = tpu.memref_slice %arg3[%add3A_10, %dma_wait3A_69, %dma_wait3A_70] : memref<64x40x128xi32, #tpu.memory_space<hbm>> -> memref<1x40x128xi32, #tpu.memory_space<hbm>>
      %dma_wait3A_72 = tpu.memref_squeeze %dma_wait3A_71 : memref<1x40x128xi32, #tpu.memory_space<hbm>> -> memref<40x128xi32, #tpu.memory_space<hbm>>
      tpu.wait_dma2 semaphore(%run_scoped3A : memref<!tpu.dma_semaphore, #tpu.memory_space<semaphore_mem>>) src(%dma_wait3A_72 : memref<40x128xi32, #tpu.memory_space<hbm>>) dst(%arg7 : memref<40x128xi32, #tpu.memory_space<vmem>>)
      tpu.yield
    }) : () -> ()
    %dma_start3A = arith.constant 0 : i32
    %dma_start3A_11 = arith.constant 0 : i32
    %dma_start3A_12 = tpu.memref_slice %arg6[%dma_start3A, %dma_start3A_11] : memref<40x128xi32, #tpu.memory_space<vmem>> -> memref<1x128xi32, #tpu.memory_space<vmem>>
    %dma_start3A_13 = tpu.memref_squeeze %dma_start3A_12 : memref<1x128xi32, #tpu.memory_space<vmem>> -> memref<128xi32, #tpu.memory_space<vmem>>
    %dma_start3A_14 = arith.constant 0 : i32
    %dma_start3A_15 = arith.constant 0 : i32
    %dma_start3A_16 = tpu.memref_slice %arg4[%dma_start3A_14, %dma_start3A_15] : memref<10240x128xf32, #tpu.memory_space<hbm>> -> memref<10240x128xf32, #tpu.memory_space<hbm>>
    tpu.enqueue_indirect_dma source(%dma_start3A_16 : memref<10240x128xf32, #tpu.memory_space<hbm>>) target(%arg8 : memref<128x128xf32, #tpu.memory_space<vmem>>) offsets(%dma_start3A_13 : memref<128xi32, #tpu.memory_space<vmem>>) semaphore(%arg11 : memref<!tpu.dma_semaphore, #tpu.memory_space<semaphore_mem>>)
    %dma_start3A_17 = arith.constant 1 : i32
    %dma_start3A_18 = arith.constant 0 : i32
    %dma_start3A_19 = tpu.memref_slice %arg6[%dma_start3A_17, %dma_start3A_18] : memref<40x128xi32, #tpu.memory_space<vmem>> -> memref<1x128xi32, #tpu.memory_space<vmem>>
    %dma_start3A_20 = tpu.memref_squeeze %dma_start3A_19 : memref<1x128xi32, #tpu.memory_space<vmem>> -> memref<128xi32, #tpu.memory_space<vmem>>
    %dma_start3A_21 = arith.constant 0 : i32
    %dma_start3A_22 = arith.constant 0 : i32
    %dma_start3A_23 = tpu.memref_slice %arg4[%dma_start3A_21, %dma_start3A_22] : memref<10240x128xf32, #tpu.memory_space<hbm>> -> memref<10240x128xf32, #tpu.memory_space<hbm>>
    tpu.enqueue_indirect_dma source(%dma_start3A_23 : memref<10240x128xf32, #tpu.memory_space<hbm>>) target(%arg9 : memref<128x128xf32, #tpu.memory_space<vmem>>) offsets(%dma_start3A_20 : memref<128xi32, #tpu.memory_space<vmem>>) semaphore(%arg12 : memref<!tpu.dma_semaphore, #tpu.memory_space<semaphore_mem>>)
    %scan3A = arith.constant 0 : i32
    %scan3A_24 = arith.constant 0 : i32
    %scan3A_25 = arith.constant 20 : i32
    %scan3A_26 = arith.addi %scan3A_24, %scan3A_25 : i32
    %scan3A_27 = arith.constant 1 : i32
    scf.for %scan3A_58 = %scan3A_24 to %scan3A_26 step %scan3A_27  : i32 {
      %mul3A_59 = arith.constant 2 : i32
      %mul3A_60 = arith.muli %mul3A_59, %scan3A_58 : i32
      %add3A_61 = arith.constant 0 : i32
      %add3A_62 = arith.addi %mul3A_60, %add3A_61 : i32
      %dma_wait3A = arith.constant 0 : i32
      %dma_wait3A_63 = tpu.memref_slice %arg6[%add3A_62, %dma_wait3A] : memref<40x128xi32, #tpu.memory_space<vmem>> -> memref<1x128xi32, #tpu.memory_space<vmem>>
      %dma_wait3A_64 = tpu.memref_squeeze %dma_wait3A_63 : memref<1x128xi32, #tpu.memory_space<vmem>> -> memref<128xi32, #tpu.memory_space<vmem>>
      %dma_wait3A_65 = arith.constant 0 : i32
      %dma_wait3A_66 = arith.constant 0 : i32
      %dma_wait3A_67 = tpu.memref_slice %arg4[%dma_wait3A_65, %dma_wait3A_66] : memref<10240x128xf32, #tpu.memory_space<hbm>> -> memref<10240x128xf32, #tpu.memory_space<hbm>>
      tpu.wait_indirect_dma semaphore(%arg11 : memref<!tpu.dma_semaphore, #tpu.memory_space<semaphore_mem>>) src(%dma_wait3A_67 : memref<10240x128xf32, #tpu.memory_space<hbm>>) dst(%arg8 : memref<128x128xf32, #tpu.memory_space<vmem>>)
      %dma_start3A_68 = arith.constant 0 : i32
      %dma_start3A_69 = tpu.memref_slice %arg7[%add3A_62, %dma_start3A_68] : memref<40x128xi32, #tpu.memory_space<vmem>> -> memref<1x128xi32, #tpu.memory_space<vmem>>
      %dma_start3A_70 = tpu.memref_squeeze %dma_start3A_69 : memref<1x128xi32, #tpu.memory_space<vmem>> -> memref<128xi32, #tpu.memory_space<vmem>>
      %dma_start3A_71 = arith.constant 0 : i32
      %dma_start3A_72 = arith.constant 0 : i32
      %dma_start3A_73 = tpu.memref_slice %arg10[%dma_start3A_71, %dma_start3A_72] : memref<10240x128xf32, #tpu.memory_space<vmem_shared>> -> memref<10240x128xf32, #tpu.memory_space<vmem_shared>>
      tpu.enqueue_indirect_dma source(%arg8 : memref<128x128xf32, #tpu.memory_space<vmem>>) target(%dma_start3A_73 : memref<10240x128xf32, #tpu.memory_space<vmem_shared>>) offsets(%dma_start3A_70 : memref<128xi32, #tpu.memory_space<vmem>>) semaphore(%arg13 : memref<!tpu.dma_semaphore, #tpu.memory_space<semaphore_mem>>) {add = true}
      %add3A_74 = arith.constant 1 : i32
      %add3A_75 = arith.addi %mul3A_60, %add3A_74 : i32
      %dma_wait3A_76 = arith.constant 0 : i32
      %dma_wait3A_77 = tpu.memref_slice %arg6[%add3A_75, %dma_wait3A_76] : memref<40x128xi32, #tpu.memory_space<vmem>> -> memref<1x128xi32, #tpu.memory_space<vmem>>
      %dma_wait3A_78 = tpu.memref_squeeze %dma_wait3A_77 : memref<1x128xi32, #tpu.memory_space<vmem>> -> memref<128xi32, #tpu.memory_space<vmem>>
      %dma_wait3A_79 = arith.constant 0 : i32
      %dma_wait3A_80 = arith.constant 0 : i32
      %dma_wait3A_81 = tpu.memref_slice %arg4[%dma_wait3A_79, %dma_wait3A_80] : memref<10240x128xf32, #tpu.memory_space<hbm>> -> memref<10240x128xf32, #tpu.memory_space<hbm>>
      tpu.wait_indirect_dma semaphore(%arg12 : memref<!tpu.dma_semaphore, #tpu.memory_space<semaphore_mem>>) src(%dma_wait3A_81 : memref<10240x128xf32, #tpu.memory_space<hbm>>) dst(%arg9 : memref<128x128xf32, #tpu.memory_space<vmem>>)
      %dma_start3A_82 = arith.constant 0 : i32
      %dma_start3A_83 = tpu.memref_slice %arg7[%add3A_75, %dma_start3A_82] : memref<40x128xi32, #tpu.memory_space<vmem>> -> memref<1x128xi32, #tpu.memory_space<vmem>>
      %dma_start3A_84 = tpu.memref_squeeze %dma_start3A_83 : memref<1x128xi32, #tpu.memory_space<vmem>> -> memref<128xi32, #tpu.memory_space<vmem>>
      %dma_start3A_85 = arith.constant 0 : i32
      %dma_start3A_86 = arith.constant 0 : i32
      %dma_start3A_87 = tpu.memref_slice %arg10[%dma_start3A_85, %dma_start3A_86] : memref<10240x128xf32, #tpu.memory_space<vmem_shared>> -> memref<10240x128xf32, #tpu.memory_space<vmem_shared>>
      tpu.enqueue_indirect_dma source(%arg9 : memref<128x128xf32, #tpu.memory_space<vmem>>) target(%dma_start3A_87 : memref<10240x128xf32, #tpu.memory_space<vmem_shared>>) offsets(%dma_start3A_84 : memref<128xi32, #tpu.memory_space<vmem>>) semaphore(%arg14 : memref<!tpu.dma_semaphore, #tpu.memory_space<semaphore_mem>>) {add = true}
      %add3A_88 = arith.constant 0 : i32
      %add3A_89 = arith.addi %mul3A_60, %add3A_88 : i32
      %dma_wait3A_90 = arith.constant 0 : i32
      %dma_wait3A_91 = tpu.memref_slice %arg7[%add3A_89, %dma_wait3A_90] : memref<40x128xi32, #tpu.memory_space<vmem>> -> memref<1x128xi32, #tpu.memory_space<vmem>>
      %dma_wait3A_92 = tpu.memref_squeeze %dma_wait3A_91 : memref<1x128xi32, #tpu.memory_space<vmem>> -> memref<128xi32, #tpu.memory_space<vmem>>
      %dma_wait3A_93 = arith.constant 0 : i32
      %dma_wait3A_94 = arith.constant 0 : i32
      %dma_wait3A_95 = tpu.memref_slice %arg10[%dma_wait3A_93, %dma_wait3A_94] : memref<10240x128xf32, #tpu.memory_space<vmem_shared>> -> memref<10240x128xf32, #tpu.memory_space<vmem_shared>>
      tpu.wait_indirect_dma semaphore(%arg13 : memref<!tpu.dma_semaphore, #tpu.memory_space<semaphore_mem>>) src(%arg8 : memref<128x128xf32, #tpu.memory_space<vmem>>) dst(%dma_wait3A_95 : memref<10240x128xf32, #tpu.memory_space<vmem_shared>>)
      %add3A_96 = arith.constant 2 : i32
      %add3A_97 = arith.addi %add3A_89, %add3A_96 : i32
      %lt3A = arith.constant 40 : i32
      %lt3A_98 = arith.cmpi slt, %add3A_97, %lt3A : i32
      %convert_element_type3A = arith.extui %lt3A_98 : i1 to i32
      %cond3A = arith.constant 0 : i32
      %cond3A_99 = arith.cmpi ne, %convert_element_type3A, %cond3A : i32
      scf.if %cond3A_99 {
        %add3A_115 = arith.constant 2 : i32
        %add3A_116 = arith.addi %add3A_89, %add3A_115 : i32
        %dma_start3A_117 = arith.constant 0 : i32
        %dma_start3A_118 = tpu.memref_slice %arg6[%add3A_116, %dma_start3A_117] : memref<40x128xi32, #tpu.memory_space<vmem>> -> memref<1x128xi32, #tpu.memory_space<vmem>>
        %dma_start3A_119 = tpu.memref_squeeze %dma_start3A_118 : memref<1x128xi32, #tpu.memory_space<vmem>> -> memref<128xi32, #tpu.memory_space<vmem>>
        %dma_start3A_120 = arith.constant 0 : i32
        %dma_start3A_121 = arith.constant 0 : i32
        %dma_start3A_122 = tpu.memref_slice %arg4[%dma_start3A_120, %dma_start3A_121] : memref<10240x128xf32, #tpu.memory_space<hbm>> -> memref<10240x128xf32, #tpu.memory_space<hbm>>
        tpu.enqueue_indirect_dma source(%dma_start3A_122 : memref<10240x128xf32, #tpu.memory_space<hbm>>) target(%arg8 : memref<128x128xf32, #tpu.memory_space<vmem>>) offsets(%dma_start3A_119 : memref<128xi32, #tpu.memory_space<vmem>>) semaphore(%arg11 : memref<!tpu.dma_semaphore, #tpu.memory_space<semaphore_mem>>)
      } else {
      }
      %add3A_100 = arith.constant 1 : i32
      %add3A_101 = arith.addi %mul3A_60, %add3A_100 : i32
      %dma_wait3A_102 = arith.constant 0 : i32
      %dma_wait3A_103 = tpu.memref_slice %arg7[%add3A_101, %dma_wait3A_102] : memref<40x128xi32, #tpu.memory_space<vmem>> -> memref<1x128xi32, #tpu.memory_space<vmem>>
      %dma_wait3A_104 = tpu.memref_squeeze %dma_wait3A_103 : memref<1x128xi32, #tpu.memory_space<vmem>> -> memref<128xi32, #tpu.memory_space<vmem>>
      %dma_wait3A_105 = arith.constant 0 : i32
      %dma_wait3A_106 = arith.constant 0 : i32
      %dma_wait3A_107 = tpu.memref_slice %arg10[%dma_wait3A_105, %dma_wait3A_106] : memref<10240x128xf32, #tpu.memory_space<vmem_shared>> -> memref<10240x128xf32, #tpu.memory_space<vmem_shared>>
      tpu.wait_indirect_dma semaphore(%arg14 : memref<!tpu.dma_semaphore, #tpu.memory_space<semaphore_mem>>) src(%arg9 : memref<128x128xf32, #tpu.memory_space<vmem>>) dst(%dma_wait3A_107 : memref<10240x128xf32, #tpu.memory_space<vmem_shared>>)
      %add3A_108 = arith.constant 2 : i32
      %add3A_109 = arith.addi %add3A_101, %add3A_108 : i32
      %lt3A_110 = arith.constant 40 : i32
      %lt3A_111 = arith.cmpi slt, %add3A_109, %lt3A_110 : i32
      %convert_element_type3A_112 = arith.extui %lt3A_111 : i1 to i32
      %cond3A_113 = arith.constant 0 : i32
      %cond3A_114 = arith.cmpi ne, %convert_element_type3A_112, %cond3A_113 : i32
      scf.if %cond3A_114 {
        %add3A_115 = arith.constant 2 : i32
        %add3A_116 = arith.addi %add3A_101, %add3A_115 : i32
        %dma_start3A_117 = arith.constant 0 : i32
        %dma_start3A_118 = tpu.memref_slice %arg6[%add3A_116, %dma_start3A_117] : memref<40x128xi32, #tpu.memory_space<vmem>> -> memref<1x128xi32, #tpu.memory_space<vmem>>
        %dma_start3A_119 = tpu.memref_squeeze %dma_start3A_118 : memref<1x128xi32, #tpu.memory_space<vmem>> -> memref<128xi32, #tpu.memory_space<vmem>>
        %dma_start3A_120 = arith.constant 0 : i32
        %dma_start3A_121 = arith.constant 0 : i32
        %dma_start3A_122 = tpu.memref_slice %arg4[%dma_start3A_120, %dma_start3A_121] : memref<10240x128xf32, #tpu.memory_space<hbm>> -> memref<10240x128xf32, #tpu.memory_space<hbm>>
        tpu.enqueue_indirect_dma source(%dma_start3A_122 : memref<10240x128xf32, #tpu.memory_space<hbm>>) target(%arg9 : memref<128x128xf32, #tpu.memory_space<vmem>>) offsets(%dma_start3A_119 : memref<128xi32, #tpu.memory_space<vmem>>) semaphore(%arg12 : memref<!tpu.dma_semaphore, #tpu.memory_space<semaphore_mem>>)
      } else {
      }
    }
    %scan3A_28 = arith.constant 20 : i32
    %mul3A_29 = arith.constant 2 : i32
    %mul3A_30 = arith.muli %mul3A_29, %add3A : i32
    %add3A_31 = arith.constant 1 : i32
    %add3A_32 = arith.addi %mul3A_30, %add3A_31 : i32
    "tpu.region"() ({
      %run_scoped3A = tpu.sem_alloc : memref<!tpu.dma_semaphore, #tpu.memory_space<semaphore_mem>>
      %dma_start3A_58 = arith.constant 0 : i32
      %dma_start3A_59 = arith.constant 0 : i32
      %dma_start3A_60 = tpu.memref_slice %arg2[%add3A_32, %dma_start3A_58, %dma_start3A_59] : memref<64x40x128xi32, #tpu.memory_space<hbm>> -> memref<1x40x128xi32, #tpu.memory_space<hbm>>
      %dma_start3A_61 = tpu.memref_squeeze %dma_start3A_60 : memref<1x40x128xi32, #tpu.memory_space<hbm>> -> memref<40x128xi32, #tpu.memory_space<hbm>>
      %dma_start3A_62 = arith.constant 0 : i32
      %dma_start3A_63 = arith.constant 0 : i32
      %dma_start3A_64 = tpu.memref_slice %arg2[%add3A_32, %dma_start3A_62, %dma_start3A_63] : memref<64x40x128xi32, #tpu.memory_space<hbm>> -> memref<1x40x128xi32, #tpu.memory_space<hbm>>
      %dma_start3A_65 = tpu.memref_squeeze %dma_start3A_64 : memref<1x40x128xi32, #tpu.memory_space<hbm>> -> memref<40x128xi32, #tpu.memory_space<hbm>>
      tpu.enqueue_dma source(%dma_start3A_65 : memref<40x128xi32, #tpu.memory_space<hbm>>) target(%arg6 : memref<40x128xi32, #tpu.memory_space<vmem>>) target_semaphore(%run_scoped3A : memref<!tpu.dma_semaphore, #tpu.memory_space<semaphore_mem>>)
      %dma_wait3A = arith.constant 0 : i32
      %dma_wait3A_66 = arith.constant 0 : i32
      %dma_wait3A_67 = tpu.memref_slice %arg2[%add3A_32, %dma_wait3A, %dma_wait3A_66] : memref<64x40x128xi32, #tpu.memory_space<hbm>> -> memref<1x40x128xi32, #tpu.memory_space<hbm>>
      %dma_wait3A_68 = tpu.memref_squeeze %dma_wait3A_67 : memref<1x40x128xi32, #tpu.memory_space<hbm>> -> memref<40x128xi32, #tpu.memory_space<hbm>>
      %dma_wait3A_69 = arith.constant 0 : i32
      %dma_wait3A_70 = arith.constant 0 : i32
      %dma_wait3A_71 = tpu.memref_slice %arg2[%add3A_32, %dma_wait3A_69, %dma_wait3A_70] : memref<64x40x128xi32, #tpu.memory_space<hbm>> -> memref<1x40x128xi32, #tpu.memory_space<hbm>>
      %dma_wait3A_72 = tpu.memref_squeeze %dma_wait3A_71 : memref<1x40x128xi32, #tpu.memory_space<hbm>> -> memref<40x128xi32, #tpu.memory_space<hbm>>
      tpu.wait_dma2 semaphore(%run_scoped3A : memref<!tpu.dma_semaphore, #tpu.memory_space<semaphore_mem>>) src(%dma_wait3A_72 : memref<40x128xi32, #tpu.memory_space<hbm>>) dst(%arg6 : memref<40x128xi32, #tpu.memory_space<vmem>>)
      tpu.yield
    }) : () -> ()
    %mul3A_33 = arith.constant 2 : i32
    %mul3A_34 = arith.muli %mul3A_33, %add3A : i32
    %add3A_35 = arith.constant 1 : i32
    %add3A_36 = arith.addi %mul3A_34, %add3A_35 : i32
    "tpu.region"() ({
      %run_scoped3A = tpu.sem_alloc : memref<!tpu.dma_semaphore, #tpu.memory_space<semaphore_mem>>
      %dma_start3A_58 = arith.constant 0 : i32
      %dma_start3A_59 = arith.constant 0 : i32
      %dma_start3A_60 = tpu.memref_slice %arg3[%add3A_36, %dma_start3A_58, %dma_start3A_59] : memref<64x40x128xi32, #tpu.memory_space<hbm>> -> memref<1x40x128xi32, #tpu.memory_space<hbm>>
      %dma_start3A_61 = tpu.memref_squeeze %dma_start3A_60 : memref<1x40x128xi32, #tpu.memory_space<hbm>> -> memref<40x128xi32, #tpu.memory_space<hbm>>
      %dma_start3A_62 = arith.constant 0 : i32
      %dma_start3A_63 = arith.constant 0 : i32
      %dma_start3A_64 = tpu.memref_slice %arg3[%add3A_36, %dma_start3A_62, %dma_start3A_63] : memref<64x40x128xi32, #tpu.memory_space<hbm>> -> memref<1x40x128xi32, #tpu.memory_space<hbm>>
      %dma_start3A_65 = tpu.memref_squeeze %dma_start3A_64 : memref<1x40x128xi32, #tpu.memory_space<hbm>> -> memref<40x128xi32, #tpu.memory_space<hbm>>
      tpu.enqueue_dma source(%dma_start3A_65 : memref<40x128xi32, #tpu.memory_space<hbm>>) target(%arg7 : memref<40x128xi32, #tpu.memory_space<vmem>>) target_semaphore(%run_scoped3A : memref<!tpu.dma_semaphore, #tpu.memory_space<semaphore_mem>>)
      %dma_wait3A = arith.constant 0 : i32
      %dma_wait3A_66 = arith.constant 0 : i32
      %dma_wait3A_67 = tpu.memref_slice %arg3[%add3A_36, %dma_wait3A, %dma_wait3A_66] : memref<64x40x128xi32, #tpu.memory_space<hbm>> -> memref<1x40x128xi32, #tpu.memory_space<hbm>>
      %dma_wait3A_68 = tpu.memref_squeeze %dma_wait3A_67 : memref<1x40x128xi32, #tpu.memory_space<hbm>> -> memref<40x128xi32, #tpu.memory_space<hbm>>
      %dma_wait3A_69 = arith.constant 0 : i32
      %dma_wait3A_70 = arith.constant 0 : i32
      %dma_wait3A_71 = tpu.memref_slice %arg3[%add3A_36, %dma_wait3A_69, %dma_wait3A_70] : memref<64x40x128xi32, #tpu.memory_space<hbm>> -> memref<1x40x128xi32, #tpu.memory_space<hbm>>
      %dma_wait3A_72 = tpu.memref_squeeze %dma_wait3A_71 : memref<1x40x128xi32, #tpu.memory_space<hbm>> -> memref<40x128xi32, #tpu.memory_space<hbm>>
      tpu.wait_dma2 semaphore(%run_scoped3A : memref<!tpu.dma_semaphore, #tpu.memory_space<semaphore_mem>>) src(%dma_wait3A_72 : memref<40x128xi32, #tpu.memory_space<hbm>>) dst(%arg7 : memref<40x128xi32, #tpu.memory_space<vmem>>)
      tpu.yield
    }) : () -> ()
    %dma_start3A_37 = arith.constant 0 : i32
    %dma_start3A_38 = arith.constant 0 : i32
    %dma_start3A_39 = tpu.memref_slice %arg6[%dma_start3A_37, %dma_start3A_38] : memref<40x128xi32, #tpu.memory_space<vmem>> -> memref<1x128xi32, #tpu.memory_space<vmem>>
    %dma_start3A_40 = tpu.memref_squeeze %dma_start3A_39 : memref<1x128xi32, #tpu.memory_space<vmem>> -> memref<128xi32, #tpu.memory_space<vmem>>
    %dma_start3A_41 = arith.constant 0 : i32
    %dma_start3A_42 = arith.constant 0 : i32
    %dma_start3A_43 = tpu.memref_slice %arg4[%dma_start3A_41, %dma_start3A_42] : memref<10240x128xf32, #tpu.memory_space<hbm>> -> memref<10240x128xf32, #tpu.memory_space<hbm>>
    tpu.enqueue_indirect_dma source(%dma_start3A_43 : memref<10240x128xf32, #tpu.memory_space<hbm>>) target(%arg8 : memref<128x128xf32, #tpu.memory_space<vmem>>) offsets(%dma_start3A_40 : memref<128xi32, #tpu.memory_space<vmem>>) semaphore(%arg11 : memref<!tpu.dma_semaphore, #tpu.memory_space<semaphore_mem>>)
    %dma_start3A_44 = arith.constant 1 : i32
    %dma_start3A_45 = arith.constant 0 : i32
    %dma_start3A_46 = tpu.memref_slice %arg6[%dma_start3A_44, %dma_start3A_45] : memref<40x128xi32, #tpu.memory_space<vmem>> -> memref<1x128xi32, #tpu.memory_space<vmem>>
    %dma_start3A_47 = tpu.memref_squeeze %dma_start3A_46 : memref<1x128xi32, #tpu.memory_space<vmem>> -> memref<128xi32, #tpu.memory_space<vmem>>
    %dma_start3A_48 = arith.constant 0 : i32
    %dma_start3A_49 = arith.constant 0 : i32
    %dma_start3A_50 = tpu.memref_slice %arg4[%dma_start3A_48, %dma_start3A_49] : memref<10240x128xf32, #tpu.memory_space<hbm>> -> memref<10240x128xf32, #tpu.memory_space<hbm>>
    tpu.enqueue_indirect_dma source(%dma_start3A_50 : memref<10240x128xf32, #tpu.memory_space<hbm>>) target(%arg9 : memref<128x128xf32, #tpu.memory_space<vmem>>) offsets(%dma_start3A_47 : memref<128xi32, #tpu.memory_space<vmem>>) semaphore(%arg12 : memref<!tpu.dma_semaphore, #tpu.memory_space<semaphore_mem>>)
    %scan3A_51 = arith.constant 0 : i32
    %scan3A_52 = arith.constant 0 : i32
    %scan3A_53 = arith.constant 20 : i32
    %scan3A_54 = arith.addi %scan3A_52, %scan3A_53 : i32
    %scan3A_55 = arith.constant 1 : i32
    scf.for %scan3A_58 = %scan3A_52 to %scan3A_54 step %scan3A_55  : i32 {
      %mul3A_59 = arith.constant 2 : i32
      %mul3A_60 = arith.muli %mul3A_59, %scan3A_58 : i32
      %add3A_61 = arith.constant 0 : i32
      %add3A_62 = arith.addi %mul3A_60, %add3A_61 : i32
      %dma_wait3A = arith.constant 0 : i32
      %dma_wait3A_63 = tpu.memref_slice %arg6[%add3A_62, %dma_wait3A] : memref<40x128xi32, #tpu.memory_space<vmem>> -> memref<1x128xi32, #tpu.memory_space<vmem>>
      %dma_wait3A_64 = tpu.memref_squeeze %dma_wait3A_63 : memref<1x128xi32, #tpu.memory_space<vmem>> -> memref<128xi32, #tpu.memory_space<vmem>>
      %dma_wait3A_65 = arith.constant 0 : i32
      %dma_wait3A_66 = arith.constant 0 : i32
      %dma_wait3A_67 = tpu.memref_slice %arg4[%dma_wait3A_65, %dma_wait3A_66] : memref<10240x128xf32, #tpu.memory_space<hbm>> -> memref<10240x128xf32, #tpu.memory_space<hbm>>
      tpu.wait_indirect_dma semaphore(%arg11 : memref<!tpu.dma_semaphore, #tpu.memory_space<semaphore_mem>>) src(%dma_wait3A_67 : memref<10240x128xf32, #tpu.memory_space<hbm>>) dst(%arg8 : memref<128x128xf32, #tpu.memory_space<vmem>>)
      %dma_start3A_68 = arith.constant 0 : i32
      %dma_start3A_69 = tpu.memref_slice %arg7[%add3A_62, %dma_start3A_68] : memref<40x128xi32, #tpu.memory_space<vmem>> -> memref<1x128xi32, #tpu.memory_space<vmem>>
      %dma_start3A_70 = tpu.memref_squeeze %dma_start3A_69 : memref<1x128xi32, #tpu.memory_space<vmem>> -> memref<128xi32, #tpu.memory_space<vmem>>
      %dma_start3A_71 = arith.constant 0 : i32
      %dma_start3A_72 = arith.constant 0 : i32
      %dma_start3A_73 = tpu.memref_slice %arg10[%dma_start3A_71, %dma_start3A_72] : memref<10240x128xf32, #tpu.memory_space<vmem_shared>> -> memref<10240x128xf32, #tpu.memory_space<vmem_shared>>
      tpu.enqueue_indirect_dma source(%arg8 : memref<128x128xf32, #tpu.memory_space<vmem>>) target(%dma_start3A_73 : memref<10240x128xf32, #tpu.memory_space<vmem_shared>>) offsets(%dma_start3A_70 : memref<128xi32, #tpu.memory_space<vmem>>) semaphore(%arg13 : memref<!tpu.dma_semaphore, #tpu.memory_space<semaphore_mem>>) {add = true}
      %add3A_74 = arith.constant 1 : i32
      %add3A_75 = arith.addi %mul3A_60, %add3A_74 : i32
      %dma_wait3A_76 = arith.constant 0 : i32
      %dma_wait3A_77 = tpu.memref_slice %arg6[%add3A_75, %dma_wait3A_76] : memref<40x128xi32, #tpu.memory_space<vmem>> -> memref<1x128xi32, #tpu.memory_space<vmem>>
      %dma_wait3A_78 = tpu.memref_squeeze %dma_wait3A_77 : memref<1x128xi32, #tpu.memory_space<vmem>> -> memref<128xi32, #tpu.memory_space<vmem>>
      %dma_wait3A_79 = arith.constant 0 : i32
      %dma_wait3A_80 = arith.constant 0 : i32
      %dma_wait3A_81 = tpu.memref_slice %arg4[%dma_wait3A_79, %dma_wait3A_80] : memref<10240x128xf32, #tpu.memory_space<hbm>> -> memref<10240x128xf32, #tpu.memory_space<hbm>>
      tpu.wait_indirect_dma semaphore(%arg12 : memref<!tpu.dma_semaphore, #tpu.memory_space<semaphore_mem>>) src(%dma_wait3A_81 : memref<10240x128xf32, #tpu.memory_space<hbm>>) dst(%arg9 : memref<128x128xf32, #tpu.memory_space<vmem>>)
      %dma_start3A_82 = arith.constant 0 : i32
      %dma_start3A_83 = tpu.memref_slice %arg7[%add3A_75, %dma_start3A_82] : memref<40x128xi32, #tpu.memory_space<vmem>> -> memref<1x128xi32, #tpu.memory_space<vmem>>
      %dma_start3A_84 = tpu.memref_squeeze %dma_start3A_83 : memref<1x128xi32, #tpu.memory_space<vmem>> -> memref<128xi32, #tpu.memory_space<vmem>>
      %dma_start3A_85 = arith.constant 0 : i32
      %dma_start3A_86 = arith.constant 0 : i32
      %dma_start3A_87 = tpu.memref_slice %arg10[%dma_start3A_85, %dma_start3A_86] : memref<10240x128xf32, #tpu.memory_space<vmem_shared>> -> memref<10240x128xf32, #tpu.memory_space<vmem_shared>>
      tpu.enqueue_indirect_dma source(%arg9 : memref<128x128xf32, #tpu.memory_space<vmem>>) target(%dma_start3A_87 : memref<10240x128xf32, #tpu.memory_space<vmem_shared>>) offsets(%dma_start3A_84 : memref<128xi32, #tpu.memory_space<vmem>>) semaphore(%arg14 : memref<!tpu.dma_semaphore, #tpu.memory_space<semaphore_mem>>) {add = true}
      %add3A_88 = arith.constant 0 : i32
      %add3A_89 = arith.addi %mul3A_60, %add3A_88 : i32
      %dma_wait3A_90 = arith.constant 0 : i32
      %dma_wait3A_91 = tpu.memref_slice %arg7[%add3A_89, %dma_wait3A_90] : memref<40x128xi32, #tpu.memory_space<vmem>> -> memref<1x128xi32, #tpu.memory_space<vmem>>
      %dma_wait3A_92 = tpu.memref_squeeze %dma_wait3A_91 : memref<1x128xi32, #tpu.memory_space<vmem>> -> memref<128xi32, #tpu.memory_space<vmem>>
      %dma_wait3A_93 = arith.constant 0 : i32
      %dma_wait3A_94 = arith.constant 0 : i32
      %dma_wait3A_95 = tpu.memref_slice %arg10[%dma_wait3A_93, %dma_wait3A_94] : memref<10240x128xf32, #tpu.memory_space<vmem_shared>> -> memref<10240x128xf32, #tpu.memory_space<vmem_shared>>
      tpu.wait_indirect_dma semaphore(%arg13 : memref<!tpu.dma_semaphore, #tpu.memory_space<semaphore_mem>>) src(%arg8 : memref<128x128xf32, #tpu.memory_space<vmem>>) dst(%dma_wait3A_95 : memref<10240x128xf32, #tpu.memory_space<vmem_shared>>)
      %add3A_96 = arith.constant 2 : i32
      %add3A_97 = arith.addi %add3A_89, %add3A_96 : i32
      %lt3A = arith.constant 40 : i32
      %lt3A_98 = arith.cmpi slt, %add3A_97, %lt3A : i32
      %convert_element_type3A = arith.extui %lt3A_98 : i1 to i32
      %cond3A = arith.constant 0 : i32
      %cond3A_99 = arith.cmpi ne, %convert_element_type3A, %cond3A : i32
      scf.if %cond3A_99 {
        %add3A_115 = arith.constant 2 : i32
        %add3A_116 = arith.addi %add3A_89, %add3A_115 : i32
        %dma_start3A_117 = arith.constant 0 : i32
        %dma_start3A_118 = tpu.memref_slice %arg6[%add3A_116, %dma_start3A_117] : memref<40x128xi32, #tpu.memory_space<vmem>> -> memref<1x128xi32, #tpu.memory_space<vmem>>
        %dma_start3A_119 = tpu.memref_squeeze %dma_start3A_118 : memref<1x128xi32, #tpu.memory_space<vmem>> -> memref<128xi32, #tpu.memory_space<vmem>>
        %dma_start3A_120 = arith.constant 0 : i32
        %dma_start3A_121 = arith.constant 0 : i32
        %dma_start3A_122 = tpu.memref_slice %arg4[%dma_start3A_120, %dma_start3A_121] : memref<10240x128xf32, #tpu.memory_space<hbm>> -> memref<10240x128xf32, #tpu.memory_space<hbm>>
        tpu.enqueue_indirect_dma source(%dma_start3A_122 : memref<10240x128xf32, #tpu.memory_space<hbm>>) target(%arg8 : memref<128x128xf32, #tpu.memory_space<vmem>>) offsets(%dma_start3A_119 : memref<128xi32, #tpu.memory_space<vmem>>) semaphore(%arg11 : memref<!tpu.dma_semaphore, #tpu.memory_space<semaphore_mem>>)
      } else {
      }
      %add3A_100 = arith.constant 1 : i32
      %add3A_101 = arith.addi %mul3A_60, %add3A_100 : i32
      %dma_wait3A_102 = arith.constant 0 : i32
      %dma_wait3A_103 = tpu.memref_slice %arg7[%add3A_101, %dma_wait3A_102] : memref<40x128xi32, #tpu.memory_space<vmem>> -> memref<1x128xi32, #tpu.memory_space<vmem>>
      %dma_wait3A_104 = tpu.memref_squeeze %dma_wait3A_103 : memref<1x128xi32, #tpu.memory_space<vmem>> -> memref<128xi32, #tpu.memory_space<vmem>>
      %dma_wait3A_105 = arith.constant 0 : i32
      %dma_wait3A_106 = arith.constant 0 : i32
      %dma_wait3A_107 = tpu.memref_slice %arg10[%dma_wait3A_105, %dma_wait3A_106] : memref<10240x128xf32, #tpu.memory_space<vmem_shared>> -> memref<10240x128xf32, #tpu.memory_space<vmem_shared>>
      tpu.wait_indirect_dma semaphore(%arg14 : memref<!tpu.dma_semaphore, #tpu.memory_space<semaphore_mem>>) src(%arg9 : memref<128x128xf32, #tpu.memory_space<vmem>>) dst(%dma_wait3A_107 : memref<10240x128xf32, #tpu.memory_space<vmem_shared>>)
      %add3A_108 = arith.constant 2 : i32
      %add3A_109 = arith.addi %add3A_101, %add3A_108 : i32
      %lt3A_110 = arith.constant 40 : i32
      %lt3A_111 = arith.cmpi slt, %add3A_109, %lt3A_110 : i32
      %convert_element_type3A_112 = arith.extui %lt3A_111 : i1 to i32
      %cond3A_113 = arith.constant 0 : i32
      %cond3A_114 = arith.cmpi ne, %convert_element_type3A_112, %cond3A_113 : i32
      scf.if %cond3A_114 {
        %add3A_115 = arith.constant 2 : i32
        %add3A_116 = arith.addi %add3A_101, %add3A_115 : i32
        %dma_start3A_117 = arith.constant 0 : i32
        %dma_start3A_118 = tpu.memref_slice %arg6[%add3A_116, %dma_start3A_117] : memref<40x128xi32, #tpu.memory_space<vmem>> -> memref<1x128xi32, #tpu.memory_space<vmem>>
        %dma_start3A_119 = tpu.memref_squeeze %dma_start3A_118 : memref<1x128xi32, #tpu.memory_space<vmem>> -> memref<128xi32, #tpu.memory_space<vmem>>
        %dma_start3A_120 = arith.constant 0 : i32
        %dma_start3A_121 = arith.constant 0 : i32
        %dma_start3A_122 = tpu.memref_slice %arg4[%dma_start3A_120, %dma_start3A_121] : memref<10240x128xf32, #tpu.memory_space<hbm>> -> memref<10240x128xf32, #tpu.memory_space<hbm>>
        tpu.enqueue_indirect_dma source(%dma_start3A_122 : memref<10240x128xf32, #tpu.memory_space<hbm>>) target(%arg9 : memref<128x128xf32, #tpu.memory_space<vmem>>) offsets(%dma_start3A_119 : memref<128xi32, #tpu.memory_space<vmem>>) semaphore(%arg12 : memref<!tpu.dma_semaphore, #tpu.memory_space<semaphore_mem>>)
      } else {
      }
    }
    %scan3A_56 = arith.constant 20 : i32
    %barrier3A_57 = arith.constant 0 : index
    tpu.barrier barrier_id(%barrier3A_57)
    "tpu.region"() ({
      %run_scoped3A = tpu.sem_alloc : memref<!tpu.dma_semaphore, #tpu.memory_space<semaphore_mem>>
      %dma_start3A_58 = arith.constant 0 : i32
      %dma_start3A_59 = arith.constant 0 : i32
      %dma_start3A_60 = tpu.memref_slice %arg5[%arg0, %dma_start3A_58, %dma_start3A_59] : memref<2x10240x128xf32, #tpu.memory_space<hbm>> -> memref<1x10240x128xf32, #tpu.memory_space<hbm>>
      %dma_start3A_61 = tpu.memref_squeeze %dma_start3A_60 : memref<1x10240x128xf32, #tpu.memory_space<hbm>> -> memref<10240x128xf32, #tpu.memory_space<hbm>>
      %dma_start3A_62 = arith.constant 0 : i32
      %dma_start3A_63 = tpu.memref_slice %dma_start3A_61[%mul3A_2, %dma_start3A_62] : memref<10240x128xf32, #tpu.memory_space<hbm>> -> memref<640x128xf32, #tpu.memory_space<hbm>>
      %dma_start3A_64 = arith.constant 0 : i32
      %dma_start3A_65 = tpu.memref_slice %arg10[%mul3A_2, %dma_start3A_64] : memref<10240x128xf32, #tpu.memory_space<vmem_shared>> -> memref<640x128xf32, #tpu.memory_space<vmem_shared>>
      tpu.enqueue_dma source(%dma_start3A_65 : memref<640x128xf32, #tpu.memory_space<vmem_shared>>) target(%dma_start3A_63 : memref<640x128xf32, #tpu.memory_space<hbm>>) target_semaphore(%run_scoped3A : memref<!tpu.dma_semaphore, #tpu.memory_space<semaphore_mem>>)
      %dma_wait3A = arith.constant 0 : i32
      %dma_wait3A_66 = arith.constant 0 : i32
      %dma_wait3A_67 = tpu.memref_slice %arg5[%arg0, %dma_wait3A, %dma_wait3A_66] : memref<2x10240x128xf32, #tpu.memory_space<hbm>> -> memref<1x10240x128xf32, #tpu.memory_space<hbm>>
      %dma_wait3A_68 = tpu.memref_squeeze %dma_wait3A_67 : memref<1x10240x128xf32, #tpu.memory_space<hbm>> -> memref<10240x128xf32, #tpu.memory_space<hbm>>
      %dma_wait3A_69 = arith.constant 0 : i32
      %dma_wait3A_70 = tpu.memref_slice %dma_wait3A_68[%mul3A_2, %dma_wait3A_69] : memref<10240x128xf32, #tpu.memory_space<hbm>> -> memref<640x128xf32, #tpu.memory_space<hbm>>
      %dma_wait3A_71 = arith.constant 0 : i32
      %dma_wait3A_72 = tpu.memref_slice %arg10[%mul3A_2, %dma_wait3A_71] : memref<10240x128xf32, #tpu.memory_space<vmem_shared>> -> memref<640x128xf32, #tpu.memory_space<vmem_shared>>
      tpu.wait_dma2 semaphore(%run_scoped3A : memref<!tpu.dma_semaphore, #tpu.memory_space<semaphore_mem>>) src(%dma_wait3A_72 : memref<640x128xf32, #tpu.memory_space<vmem_shared>>) dst(%dma_wait3A_70 : memref<640x128xf32, #tpu.memory_space<hbm>>)
      tpu.yield
    }) : () -> ()
    return
  }
}

module attributes {stable_mosaic.version = 14 : i64} {
  func.func @_pre_body(%arg0: i32, %arg1: memref<2x1000x128xf32, #tpu.memory_space<vmem>>, %arg2: memref<1000x128xf32, #tpu.memory_space<vmem>>, %arg3: memref<2x1000x128xf32, #tpu.memory_space<vmem>>, %arg4: memref<1x128xf32, #tpu.memory_space<vmem>>, %arg5: memref<1000x128xf32, #tpu.memory_space<vmem>>, %arg6: memref<2x128xf32, #tpu.memory_space<vmem>>) attributes {dimension_semantics = [#tpu.dimension_semantics<arbitrary>], iteration_bounds = array<i64: 10>, scalar_prefetch = 0 : i64, scratch_operands = 0 : i64, tpu.core_type = #tpu.core_type<tc>, window_params = [{transform_indices = @transform_0, window_bounds = array<i64: 2, 1000, 128>}, {transform_indices = @transform_1, window_bounds = array<i64: 1000, 128>}, {transform_indices = @transform_2, window_bounds = array<i64: 2, 1000, 128>}, {pipeline_mode = #tpu.pipeline_mode<synchronous>, transform_indices = @transform_3, window_bounds = array<i64: 1, 128>}, {transform_indices = @transform_4, window_bounds = array<i64: 1000, 128>}, {pipeline_mode = #tpu.pipeline_mode<synchronous>, transform_indices = @transform_5, window_bounds = array<i64: 2, 128>}]} {
    %get3A = arith.constant 0 : index
    %get3A_0 = arith.constant 0 : index
    %get3A_1 = arith.constant 0 : index
    %get3A_2 = vector.load %arg3[%get3A, %get3A_0, %get3A_1] : memref<2x1000x128xf32, #tpu.memory_space<vmem>>, vector<2x1000x128xf32>
    %reduce_sum3A = arith.constant dense<0.000000e+00> : vector<1000x128xf32>
    %reduce_sum3A_3 = vector.multi_reduction <add>, %get3A_2, %reduce_sum3A [0] : vector<2x1000x128xf32> to vector<1000x128xf32>
    %slice3A = vector.extract_strided_slice %reduce_sum3A_3 {offsets = [0, 0], sizes = [1000, 1], strides = [1, 1]} : vector<1000x128xf32> to vector<1000x1xf32>
    %add3A = arith.constant 1.000000e+00 : f32
    %add3A_4 = vector.broadcast %add3A : f32 to vector<1000x1xf32>
    %add3A_5 = arith.addf %slice3A, %add3A_4 : vector<1000x1xf32>
    %rsqrt3A = math.rsqrt %add3A_5 : vector<1000x1xf32>
    %get3A_6 = arith.constant 0 : index
    %get3A_7 = arith.constant 0 : index
    %get3A_8 = arith.constant 0 : index
    %get3A_9 = vector.load %arg1[%get3A_6, %get3A_7, %get3A_8] : memref<2x1000x128xf32, #tpu.memory_space<vmem>>, vector<2x1000x128xf32>
    %reduce_sum3A_10 = arith.constant dense<0.000000e+00> : vector<1000x128xf32>
    %reduce_sum3A_11 = vector.multi_reduction <add>, %get3A_9, %reduce_sum3A_10 [0] : vector<2x1000x128xf32> to vector<1000x128xf32>
    %get3A_12 = arith.constant 0 : index
    %get3A_13 = arith.constant 0 : index
    %get3A_14 = vector.load %arg2[%get3A_12, %get3A_13] : memref<1000x128xf32, #tpu.memory_space<vmem>>, vector<1000x128xf32>
    %sub3A = arith.subf %reduce_sum3A_11, %get3A_14 : vector<1000x128xf32>
    %mul3A = vector.broadcast %rsqrt3A : vector<1000x1xf32> to vector<1000x128xf32>
    %mul3A_15 = arith.mulf %sub3A, %mul3A : vector<1000x128xf32>
    %get3A_16 = arith.constant 0 : index
    %get3A_17 = arith.constant 0 : index
    %get3A_18 = vector.load %arg4[%get3A_16, %get3A_17] : memref<1x128xf32, #tpu.memory_space<vmem>>, vector<1x128xf32>
    %add3A_19 = vector.broadcast %get3A_18 : vector<1x128xf32> to vector<1000x128xf32>
    %add3A_20 = arith.addf %mul3A_15, %add3A_19 : vector<1000x128xf32>
    %swap3A = arith.constant 0 : index
    %swap3A_21 = arith.constant 0 : index
    %swap3A_22 = vector.load %arg5[%swap3A, %swap3A_21] : memref<1000x128xf32, #tpu.memory_space<vmem>>, vector<1000x128xf32>
    tpu.vector_store %arg5[%swap3A, %swap3A_21], %add3A_20 {strides = array<i32>} : memref<1000x128xf32, #tpu.memory_space<vmem>>, vector<1000x128xf32>,
    %reduce_sum3A_23 = arith.constant dense<0.000000e+00> : vector<128xf32>
    %reduce_sum3A_24 = vector.multi_reduction <add>, %add3A_20, %reduce_sum3A_23 [0] : vector<1000x128xf32> to vector<128xf32>
    %broadcast_in_dim3A = vector.shape_cast %reduce_sum3A_24 : vector<128xf32> to vector<1x128xf32>
    %mul3A_25 = arith.mulf %add3A_20, %add3A_20 : vector<1000x128xf32>
    %reduce_sum3A_26 = arith.constant dense<0.000000e+00> : vector<128xf32>
    %reduce_sum3A_27 = vector.multi_reduction <add>, %mul3A_25, %reduce_sum3A_26 [0] : vector<1000x128xf32> to vector<128xf32>
    %broadcast_in_dim3A_28 = vector.shape_cast %reduce_sum3A_27 : vector<128xf32> to vector<1x128xf32>
    %concatenate3A = tpu.concatenate %broadcast_in_dim3A, %broadcast_in_dim3A_28 in 0 : vector<1x128xf32>, vector<1x128xf32> -> vector<2x128xf32>
    %eq3A = arith.constant 0 : i32
    %eq3A_29 = arith.cmpi eq, %arg0, %eq3A : i32
    %convert_element_type3A = arith.extui %eq3A_29 : i1 to i32
    %cond3A = arith.constant 0 : i32
    %cond3A_30 = arith.cmpi ne, %convert_element_type3A, %cond3A : i32
    scf.if %cond3A_30 {
      %swap3A_35 = arith.constant 0 : index
      %swap3A_36 = arith.constant 0 : index
      %swap3A_37 = vector.load %arg6[%swap3A_35, %swap3A_36] : memref<2x128xf32, #tpu.memory_space<vmem>>, vector<2x128xf32>
      tpu.vector_store %arg6[%swap3A_35, %swap3A_36], %concatenate3A {strides = array<i32>} : memref<2x128xf32, #tpu.memory_space<vmem>>, vector<2x128xf32>,
    } else {
    }
    %ne3A = arith.constant 0 : i32
    %ne3A_31 = arith.cmpi ne, %arg0, %ne3A : i32
    %convert_element_type3A_32 = arith.extui %ne3A_31 : i1 to i32
    %cond3A_33 = arith.constant 0 : i32
    %cond3A_34 = arith.cmpi ne, %convert_element_type3A_32, %cond3A_33 : i32
    scf.if %cond3A_34 {
      %get3A_35 = arith.constant 0 : index
      %get3A_36 = arith.constant 0 : index
      %get3A_37 = vector.load %arg6[%get3A_35, %get3A_36] : memref<2x128xf32, #tpu.memory_space<vmem>>, vector<2x128xf32>
      %add3A_38 = arith.addf %get3A_37, %concatenate3A : vector<2x128xf32>
      %swap3A_39 = arith.constant 0 : index
      %swap3A_40 = arith.constant 0 : index
      %swap3A_41 = vector.load %arg6[%swap3A_39, %swap3A_40] : memref<2x128xf32, #tpu.memory_space<vmem>>, vector<2x128xf32>
      tpu.vector_store %arg6[%swap3A_39, %swap3A_40], %add3A_38 {strides = array<i32>} : memref<2x128xf32, #tpu.memory_space<vmem>>, vector<2x128xf32>,
    } else {
    }
    return
  }
  func.func @transform_0(%arg0: i32) -> (i32, i32, i32) {
    %c0_i32 = arith.constant 0 : i32
    %c0_i32_0 = arith.constant 0 : i32
    %c0_i32_1 = arith.constant 0 : i32
    return %c0_i32, %arg0, %c0_i32_0 : i32, i32, i32
  }
  func.func @transform_1(%arg0: i32) -> (i32, i32) {
    %c0_i32 = arith.constant 0 : i32
    %c0_i32_0 = arith.constant 0 : i32
    return %arg0, %c0_i32 : i32, i32
  }
  func.func @transform_2(%arg0: i32) -> (i32, i32, i32) {
    %c0_i32 = arith.constant 0 : i32
    %c0_i32_0 = arith.constant 0 : i32
    %c0_i32_1 = arith.constant 0 : i32
    return %c0_i32, %arg0, %c0_i32_0 : i32, i32, i32
  }
  func.func @transform_3(%arg0: i32) -> (i32, i32) {
    %c0_i32 = arith.constant 0 : i32
    %c0_i32_0 = arith.constant 0 : i32
    %c0_i32_1 = arith.constant 0 : i32
    return %c0_i32, %c0_i32_0 : i32, i32
  }
  func.func @transform_4(%arg0: i32) -> (i32, i32) {
    %c0_i32 = arith.constant 0 : i32
    %c0_i32_0 = arith.constant 0 : i32
    return %arg0, %c0_i32 : i32, i32
  }
  func.func @transform_5(%arg0: i32) -> (i32, i32) {
    %c0_i32 = arith.constant 0 : i32
    %c0_i32_0 = arith.constant 0 : i32
    %c0_i32_1 = arith.constant 0 : i32
    return %c0_i32, %c0_i32_0 : i32, i32
  }
}

module attributes {stable_mosaic.version = 14 : i64} {
  func.func @_mm_body(%arg0: i32, %arg1: memref<256x128xf32, #tpu.memory_space<vmem>>, %arg2: memref<128x128xf32, #tpu.memory_space<vmem>>, %arg3: memref<2x256x128xf32, #tpu.memory_space<vmem>>, %arg4: memref<256x128xf32, #tpu.memory_space<vmem>>) attributes {dimension_semantics = [#tpu.dimension_semantics<arbitrary>], iteration_bounds = array<i64: 40>, scalar_prefetch = 0 : i64, scratch_operands = 0 : i64, tpu.core_type = #tpu.core_type<tc>, window_params = [{transform_indices = @transform_0, window_bounds = array<i64: 256, 128>}, {pipeline_mode = #tpu.pipeline_mode<synchronous>, transform_indices = @transform_1, window_bounds = array<i64: 128, 128>}, {transform_indices = @transform_2, window_bounds = array<i64: 2, 256, 128>}, {transform_indices = @transform_3, window_bounds = array<i64: 256, 128>}]} {
    %get3A = arith.constant 0 : index
    %get3A_0 = arith.constant 0 : index
    %get3A_1 = arith.constant 0 : index
    %get3A_2 = vector.load %arg3[%get3A, %get3A_0, %get3A_1] : memref<2x256x128xf32, #tpu.memory_space<vmem>>, vector<2x256x128xf32>
    %reduce_sum3A = arith.constant dense<0.000000e+00> : vector<256x128xf32>
    %reduce_sum3A_3 = vector.multi_reduction <add>, %get3A_2, %reduce_sum3A [0] : vector<2x256x128xf32> to vector<256x128xf32>
    %slice3A = vector.extract_strided_slice %reduce_sum3A_3 {offsets = [0, 0], sizes = [256, 1], strides = [1, 1]} : vector<256x128xf32> to vector<256x1xf32>
    %add3A = arith.constant 1.000000e+00 : f32
    %add3A_4 = vector.broadcast %add3A : f32 to vector<256x1xf32>
    %add3A_5 = arith.addf %slice3A, %add3A_4 : vector<256x1xf32>
    %rsqrt3A = math.rsqrt %add3A_5 : vector<256x1xf32>
    %get3A_6 = arith.constant 0 : index
    %get3A_7 = arith.constant 0 : index
    %get3A_8 = vector.load %arg1[%get3A_6, %get3A_7] : memref<256x128xf32, #tpu.memory_space<vmem>>, vector<256x128xf32>
    %get3A_9 = arith.constant 0 : index
    %get3A_10 = arith.constant 0 : index
    %get3A_11 = vector.load %arg2[%get3A_9, %get3A_10] : memref<128x128xf32, #tpu.memory_space<vmem>>, vector<128x128xf32>
    %dot_general3A = arith.constant dense<0.000000e+00> : vector<256x128xf32>
    %dot_general3A_12 = tpu.matmul %get3A_8, %get3A_11, %dot_general3A {dimension_numbers = #tpu.dot_dimension_numbers<[1], [0], [0], [1], [0, 0, 1, 1], [], []>, transpose_lhs_hint = false} : vector<256x128xf32>, vector<128x128xf32>, vector<256x128xf32> -> vector<256x128xf32>
    %mul3A = vector.broadcast %rsqrt3A : vector<256x1xf32> to vector<256x128xf32>
    %mul3A_13 = arith.mulf %dot_general3A_12, %mul3A : vector<256x128xf32>
    %swap3A = arith.constant 0 : index
    %swap3A_14 = arith.constant 0 : index
    %swap3A_15 = vector.load %arg4[%swap3A, %swap3A_14] : memref<256x128xf32, #tpu.memory_space<vmem>>, vector<256x128xf32>
    tpu.vector_store %arg4[%swap3A, %swap3A_14], %mul3A_13 {strides = array<i32>} : memref<256x128xf32, #tpu.memory_space<vmem>>, vector<256x128xf32>,
    return
  }
  func.func @transform_0(%arg0: i32) -> (i32, i32) {
    %c0_i32 = arith.constant 0 : i32
    %c0_i32_0 = arith.constant 0 : i32
    return %arg0, %c0_i32 : i32, i32
  }
  func.func @transform_1(%arg0: i32) -> (i32, i32) {
    %c0_i32 = arith.constant 0 : i32
    %c0_i32_0 = arith.constant 0 : i32
    %c0_i32_1 = arith.constant 0 : i32
    return %c0_i32, %c0_i32_0 : i32, i32
  }
  func.func @transform_2(%arg0: i32) -> (i32, i32, i32) {
    %c0_i32 = arith.constant 0 : i32
    %c0_i32_0 = arith.constant 0 : i32
    %c0_i32_1 = arith.constant 0 : i32
    return %c0_i32, %arg0, %c0_i32_0 : i32, i32, i32
  }
  func.func @transform_3(%arg0: i32) -> (i32, i32) {
    %c0_i32 = arith.constant 0 : i32
    %c0_i32_0 = arith.constant 0 : i32
    return %arg0, %c0_i32 : i32, i32
  }
}

module attributes {stable_mosaic.version = 14 : i64} {
  func.func @_bn_body(%arg0: i32, %arg1: memref<1000x128xf32, #tpu.memory_space<vmem>>, %arg2: memref<2x128xf32, #tpu.memory_space<vmem>>, %arg3: memref<1x128xf32, #tpu.memory_space<vmem>>, %arg4: memref<1x128xf32, #tpu.memory_space<vmem>>, %arg5: memref<1000x128xf32, #tpu.memory_space<vmem>>) attributes {dimension_semantics = [#tpu.dimension_semantics<arbitrary>], iteration_bounds = array<i64: 10>, scalar_prefetch = 0 : i64, scratch_operands = 0 : i64, tpu.core_type = #tpu.core_type<tc>, window_params = [{transform_indices = @transform_0, window_bounds = array<i64: 1000, 128>}, {pipeline_mode = #tpu.pipeline_mode<synchronous>, transform_indices = @transform_1, window_bounds = array<i64: 2, 128>}, {pipeline_mode = #tpu.pipeline_mode<synchronous>, transform_indices = @transform_2, window_bounds = array<i64: 1, 128>}, {pipeline_mode = #tpu.pipeline_mode<synchronous>, transform_indices = @transform_3, window_bounds = array<i64: 1, 128>}, {transform_indices = @transform_4, window_bounds = array<i64: 1000, 128>}]} {
    %get3A = arith.constant 0 : index
    %get3A_0 = arith.constant 0 : index
    %get3A_1 = vector.load %arg2[%get3A, %get3A_0] : memref<2x128xf32, #tpu.memory_space<vmem>>, vector<1x128xf32>
    %div3A = arith.constant 1.000000e+04 : f32
    %div3A_2 = vector.broadcast %div3A : f32 to vector<1x128xf32>
    %div3A_3 = arith.divf %get3A_1, %div3A_2 : vector<1x128xf32>
    %get3A_4 = arith.constant 1 : index
    %get3A_5 = arith.constant 0 : index
    %get3A_6 = vector.load %arg2[%get3A_4, %get3A_5] : memref<2x128xf32, #tpu.memory_space<vmem>>, vector<1x128xf32>
    %div3A_7 = arith.constant 1.000000e+04 : f32
    %div3A_8 = vector.broadcast %div3A_7 : f32 to vector<1x128xf32>
    %div3A_9 = arith.divf %get3A_6, %div3A_8 : vector<1x128xf32>
    %mul3A = arith.mulf %div3A_3, %div3A_3 : vector<1x128xf32>
    %sub3A = arith.subf %div3A_9, %mul3A : vector<1x128xf32>
    %add3A = arith.constant 9.99999974E-6 : f32
    %add3A_10 = vector.broadcast %add3A : f32 to vector<1x128xf32>
    %add3A_11 = arith.addf %sub3A, %add3A_10 : vector<1x128xf32>
    %rsqrt3A = math.rsqrt %add3A_11 : vector<1x128xf32>
    %get3A_12 = arith.constant 0 : index
    %get3A_13 = arith.constant 0 : index
    %get3A_14 = vector.load %arg1[%get3A_12, %get3A_13] : memref<1000x128xf32, #tpu.memory_space<vmem>>, vector<1000x128xf32>
    %sub3A_15 = vector.broadcast %div3A_3 : vector<1x128xf32> to vector<1000x128xf32>
    %sub3A_16 = arith.subf %get3A_14, %sub3A_15 : vector<1000x128xf32>
    %mul3A_17 = vector.broadcast %rsqrt3A : vector<1x128xf32> to vector<1000x128xf32>
    %mul3A_18 = arith.mulf %sub3A_16, %mul3A_17 : vector<1000x128xf32>
    %get3A_19 = arith.constant 0 : index
    %get3A_20 = arith.constant 0 : index
    %get3A_21 = vector.load %arg3[%get3A_19, %get3A_20] : memref<1x128xf32, #tpu.memory_space<vmem>>, vector<1x128xf32>
    %mul3A_22 = vector.broadcast %get3A_21 : vector<1x128xf32> to vector<1000x128xf32>
    %mul3A_23 = arith.mulf %mul3A_18, %mul3A_22 : vector<1000x128xf32>
    %get3A_24 = arith.constant 0 : index
    %get3A_25 = arith.constant 0 : index
    %get3A_26 = vector.load %arg4[%get3A_24, %get3A_25] : memref<1x128xf32, #tpu.memory_space<vmem>>, vector<1x128xf32>
    %add3A_27 = vector.broadcast %get3A_26 : vector<1x128xf32> to vector<1000x128xf32>
    %add3A_28 = arith.addf %mul3A_23, %add3A_27 : vector<1000x128xf32>
    %tanh3A = math.tanh %add3A_28 : vector<1000x128xf32>
    %swap3A = arith.constant 0 : index
    %swap3A_29 = arith.constant 0 : index
    %swap3A_30 = vector.load %arg5[%swap3A, %swap3A_29] : memref<1000x128xf32, #tpu.memory_space<vmem>>, vector<1000x128xf32>
    tpu.vector_store %arg5[%swap3A, %swap3A_29], %tanh3A {strides = array<i32>} : memref<1000x128xf32, #tpu.memory_space<vmem>>, vector<1000x128xf32>,
    return
  }
  func.func @transform_0(%arg0: i32) -> (i32, i32) {
    %c0_i32 = arith.constant 0 : i32
    %c0_i32_0 = arith.constant 0 : i32
    return %arg0, %c0_i32 : i32, i32
  }
  func.func @transform_1(%arg0: i32) -> (i32, i32) {
    %c0_i32 = arith.constant 0 : i32
    %c0_i32_0 = arith.constant 0 : i32
    %c0_i32_1 = arith.constant 0 : i32
    return %c0_i32, %c0_i32_0 : i32, i32
  }
  func.func @transform_2(%arg0: i32) -> (i32, i32) {
    %c0_i32 = arith.constant 0 : i32
    %c0_i32_0 = arith.constant 0 : i32
    %c0_i32_1 = arith.constant 0 : i32
    return %c0_i32, %c0_i32_0 : i32, i32
  }
  func.func @transform_3(%arg0: i32) -> (i32, i32) {
    %c0_i32 = arith.constant 0 : i32
    %c0_i32_0 = arith.constant 0 : i32
    %c0_i32_1 = arith.constant 0 : i32
    return %c0_i32, %c0_i32_0 : i32, i32
  }
  func.func @transform_4(%arg0: i32) -> (i32, i32) {
    %c0_i32 = arith.constant 0 : i32
    %c0_i32_0 = arith.constant 0 : i32
    return %arg0, %c0_i32 : i32, i32
  }
}

</mosaic_0001>

<sc_bundles>
// kernel: kernel.10.cloned.1.call-start
scs
__scs_entry_jumppad:
0x0: {  	(pc) =	sbr.rel $0x88, $3  }
0x1: {  	(tag) =	ssettag $0x0;
	lr =	simm.s32 $0x1  }
0x2: {  	[smem:$0x3F9B] =	sst lr;
	_ =	strace $0xD0000000  }
0x3: {  	_ = 	snop  }
0x4: {  	_ = 	snop  }
0x5: {  	_ = 	snop  }
0x6: {  	_ = 	snop  }
0x7: {  	_ = 	snop  }
__scs_overlays_trampoline_lowered:
0x8: {  	[smem:$0x3FAA] =	sst s0  }
0x9: {  	[smem:$0x3FAB] =	sst s1  }
0xa: {  	[smem:$0x3FAC] =	sst s2  }
0xb: {  	[smem:$0x3FAD] =	sst s3  }
0xc: {  	[smem:$0x3FAE] =	sst s4  }
0xd: {  	[smem:$0x3FAF] =	sst s5  }
0xe: {  	[smem:$0x3FB0] =	sst s6  }
0xf: {  	[smem:$0x3FB1] =	sst s7  }
0x10: {  	[smem:$0x3FB2] =	sst s8  }
0x11: {  	[smem:$0x3FB3] =	sst s9;
	s0 =	simm.s32 @!p0 $0x0  }
0x12: {  	s1 =	sld [smem:$0x3F99];
	s0 =	simm.s32 @p0 $0x1  }
0x13: {  	[smem:$0x3FB4] =	sst s0;
	s0 =	simm.s32 @!p1 $0x0  }
0x14: {  	s2 =	sld [smem:$0x3F98];
	s0 =	simm.s32 @p1 $0x1  }
0x15: {  	[smem:$0x3FB5] =	sst s0;
	s0 =	simm.s32 @!p2 $0x0  }
0x16: {  	s3 =	sld [smem:$0x3FDB];
	s0 =	simm.s32 @p2 $0x1  }
0x17: {  	s4 =	simm.s32 $0x1BF5;
	[smem:$0x3FB7] =	sst s0  }
0x18: {  	s0 =	sld [smem:$0x3F9A];
	_ =	swait.ge [sflag:s4], $0x0  }
0x19: {  	s7 =	sld [smem:$0x3F9B]  }
0x1a: {  	s8 =	sadd.s32 $0xFFFFE003, lr  }
0x1b: {  	s9 =	sadd.s32 $0xFFFFFEF7, lr;
	s5 =	simm.s32 $0xFFFFFFFF;
	p2 =	slt.u32 s8, $0xFFFFF086  }
0x1c: {  	p1 =	slt.u32 s9, $0xF7A;
	s5 =	simm.s32 @!p2 $0x0  }
0x1d: {  	s5 =	simm.s32 @p1 $0x1;
	p0 =	seq.s32 s7, s2  }
0x1e: {  	s7 =	smul.u32 @!p0 $0xF7A, s2;
	p2 =	seq.s32 @!p0 s5, $0x0  }
0x1f: {  	s9 =	smul.u32 $0xF7A, s1;
	s8 =	simm.s32 @!p0 $0x1BF5;
	p2 =	por !p2, p0  }
0x20: {  	[sflag:s8] =	ssyncset.s32 @!p0 $0xFFFFF086;
	s6 =	sadd.s32 @!p0 s3, s7;
	s7 =	simm.s32 @!p0 $0x108  }
0x21: {  	s3 =	sadd.s32 s3, s9;
	s6 =	sadd.s32 @!p0 $0x88, s6;
	s7 =	simm.s32 @p2 $0x1082  }
0x22: {  	[simem:s7], [sflag:s8] =	dma.local @!p0 [hbm:s6], $0xF7A  }
0x23: {  	s9 =	sor.u32 $0xD0000000, s2;
	s6 =	simm.s32 $0x108;
	_ =	swait.ge @!p0 [sflag:s8], $0x0  }
0x24: {  	s3 =	sadd.s32 $0x88, s3;
	s6 =	simm.s32 @!p1 $0x1082;
	[sflag:s4] =	ssyncset.s32 $0xFFFFF086  }
0x25: {  	[simem:s6], [sflag:s4] =	dma.local [hbm:s3], $0xF7A  }
0x26: {  	[smem:$0x3F9B] =	sst s1;
	(tag) =	ssettag s2;
	_ =	strace s9  }
0x27: {  	s1 =	sld [smem:$0x3FAB]  }
0x28: {  	s2 =	sld [smem:$0x3FAC]  }
0x29: {  	s4 =	sld [smem:$0x3FAE]  }
0x2a: {  	p0 =	seq.s32 s5, $0x0;
	s5 =	sld [smem:$0x3FAF]  }
0x2b: {  	s6 =	sld [smem:$0x3FB0]  }
0x2c: {  	s7 =	sld [smem:$0x3FB1]  }
0x2d: {  	s3 =	simm.s32 $0x108;
	s8 =	sld [smem:$0x3FB2]  }
0x2e: {  	s3 =	simm.s32 @!p0 $0x1082;
	s9 =	sld [smem:$0x3FB3]  }
0x2f: {  	lr =	sadd.s32 s0, s3;
	s0 =	sld [smem:$0x3FAA]  }
0x30: {  	s3 =	sld [smem:$0x3FAD]  }
0x31: {  	[smem:$0x3FB6] =	sst s10  }
0x32: {  	s10 =	sld [smem:$0x3FB4];
	_ =	sdelay $0x3  }
0x33: {  	p0 =	seq.s32 s10, $0x1;
	s10 =	sld [smem:$0x3FB6];
	_ =	sdelay $0x3  }
0x34: {  	[smem:$0x3FB6] =	sst s10  }
0x35: {  	s10 =	sld [smem:$0x3FB5];
	_ =	sdelay $0x3  }
0x36: {  	p1 =	seq.s32 s10, $0x1;
	s10 =	sld [smem:$0x3FB6];
	_ =	sdelay $0x3  }
0x37: {  	[smem:$0x3FB6] =	sst s10  }
0x38: {  	s10 =	sld [smem:$0x3FB7]  }
0x39: {  	_ = 	snop;
	(pc) =	sbr.ind lr, $3  }
0x3a: {  	_ = 	snop  }
0x3b: {  	_ = 	snop  }
0x3c: {  	p2 =	seq.s32 s10, $0x1;
	s10 =	sld [smem:$0x3FB6]  }
0x3d: {  	_ =	shalt  }
0x3e: {  	_ =	shalt  }
0x3f: {  	_ =	shalt  }
0x40: {  	_ =	shalt  }
0x41: {  	_ =	shalt  }
0x42: {  	_ =	shalt  }
0x43: {  	_ =	shalt  }
0x44: {  	_ =	shalt  }
0x45: {  	_ =	shalt  }
0x46: {  	_ =	shalt  }
0x47: {  	_ =	shalt  }
0x48: {  	_ =	shalt  }
0x49: {  	_ =	shalt  }
0x4a: {  	_ =	shalt  }
0x4b: {  	_ =	shalt  }
0x4c: {  	_ =	shalt  }
0x4d: {  	_ =	shalt  }
0x4e: {  	_ =	shalt  }
0x4f: {  	_ =	shalt  }
0x50: {  	_ =	shalt  }
0x51: {  	_ =	shalt  }
0x52: {  	_ =	shalt  }
0x53: {  	_ =	shalt  }
0x54: {  	_ =	shalt  }
0x55: {  	_ =	shalt  }
0x56: {  	_ =	shalt  }
0x57: {  	_ =	shalt  }
0x58: {  	_ =	shalt  }
0x59: {  	_ =	shalt  }
0x5a: {  	_ =	shalt  }
0x5b: {  	_ =	shalt  }
0x5c: {  	_ =	shalt  }
0x5d: {  	_ =	shalt  }
0x5e: {  	_ =	shalt  }
0x5f: {  	_ =	shalt  }
0x60: {  	_ =	shalt  }
0x61: {  	_ =	shalt  }
0x62: {  	_ =	shalt  }
0x63: {  	_ =	shalt  }
0x64: {  	_ =	shalt  }
0x65: {  	_ =	shalt  }
0x66: {  	_ =	shalt  }
0x67: {  	_ =	shalt  }
0x68: {  	_ =	shalt  }
0x69: {  	_ =	shalt  }
0x6a: {  	_ =	shalt  }
0x6b: {  	_ =	shalt  }
0x6c: {  	_ =	shalt  }
0x6d: {  	_ =	shalt  }
0x6e: {  	_ =	shalt  }
0x6f: {  	_ =	shalt  }
0x70: {  	_ =	shalt  }
0x71: {  	_ =	shalt  }
0x72: {  	_ =	shalt  }
0x73: {  	_ =	shalt  }
0x74: {  	_ =	shalt  }
0x75: {  	_ =	shalt  }
0x76: {  	_ =	shalt  }
0x77: {  	_ =	shalt  }
0x78: {  	_ =	shalt  }
0x79: {  	_ =	shalt  }
0x7a: {  	_ =	shalt  }
0x7b: {  	_ =	shalt  }
0x7c: {  	_ =	shalt  }
0x7d: {  	_ =	shalt  }
0x7e: {  	_ =	shalt  }
0x7f: {  	_ =	shalt  }
0x80: {  	_ =	shalt  }
0x81: {  	_ =	shalt  }
0x82: {  	_ =	shalt  }
0x83: {  	_ =	shalt  }
0x84: {  	_ =	shalt  }
0x85: {  	_ =	shalt  }
0x86: {  	_ =	shalt  }
0x87: {  	_ =	shalt  }
.Lfunc_end0:
.L_simem_size_0:
called_computation.1_lowered:
.L_overlay_start_0:
0x88: {  	s2 =	sld [smem:$0x3FD9]  }
0x89: {  	s3 =	sld [smem:$0x3FFE];
	_ =	sdelay $0x1  }
0x8a: {  	s1 =	srdreg.scid  }
0x8b: {  	s0 =	sand.u32 $0x1, s1  }
0x8c: {  	s17 =	sshll.u32 s0, $0xA;
	s2 =	sadd.s32 s3, s2  }
0x8d: {  	s2 =	sadd.s32 s2, s17  }
0x8e: {  	[smem:$0x3FC2] =	sst s2  }
0x8f: {  	_ = 	snop  }
0x90: {  	s2 =	sld [smem:$0x3FD0];
	(tm) =	ssettm $0x1  }
0x91: {  	s18 =	sld [smem:$0x3FFB];
	_ =	sdelay $0x3  }
0x92: {  	_ =	strace s18  }
0x93: {  	s3 =	sld [smem:$0x3FFC];
	_ =	sdelay $0x3  }
0x94: {  	_ =	strace s3  }
0x95: {  	s3 =	sld [smem:$0x3FFD];
	_ =	sdelay $0x3  }
0x96: {  	_ =	strace s3  }
0x97: {  	_ =	strace $0x8FFFFFFF  }
0x98: {  	s19 =	sld [smem:$0x3FDB];
	_ =	sdelay $0x1  }
0x99: {  	s4 =	simm.s32 $_scs_section_size  }
0x9a: {  	s5 =	simm.s32 $_size__tile_overlayer_lowered;
	s6 =	simm.s32 $_tile_overlayer_lowered  }
0x9b: {  	s22 =	simm.s32 $0x1BFF;
	s21 =	sshll.u32 s6, $0x1;
	s3 =	sadd.s32 s4, s19  }
0x9c: {  	s7 =	simm.s32 $0x0;
	s20 =	sshll.u32 s5, $0x1;
	s5 =	sadd.s32 s21, s3  }
0x9d: {  	[timem:s7], [sflag:s22] =	dma.local [hbm:s5], s20  }
0x9e: {  	_ =	swait.ge [sflag:s22], s20  }
0x9f: {  	s4 =	ssub.s32 $0x0, s20;
	[sflag:s22] =	ssyncset.done $0x0  }
0xa0: {  	[sflag:s22] =	ssyncadd.s32 s4;
	_ =	sdelay $0x1  }
0xa1: {  	s23 =	simm.s32 $0x1B8B  }
0xa2: {  	_ =	swait.ge [sflag:s23], $0x1  }
0xa3: {  	[sflag:s23] =	ssyncset.done $0x0  }
0xa4: {  	s25 =	simm.s32 $0x1B8E;
	s24 =	sld [smem:$0x3FFE];
	[sflag:s23] =	ssyncadd.s32 $0xFFFFFFFF  }
0xa5: {  	s26 =	simm.s32 $execute0_lowered;
	[smem:$0x3FD2] =	sst s25  }
0xa6: {  	s5 =	sshll.u32 s26, $0x1;
	_ =	strace $0x80000049;
	[dreg:$0x1] =	wrdreg $0xFFFFFFFF  }
0xa7: {  	s28 =	simm.s32 $_size_execute0_lowered;
	s3 =	sadd.s32 s3, s5;
	[dreg:$0x0] =	wrdreg $0x0  }
0xa8: {  	s5 =	sshll.u32 s28, $0x1;
	[dreg:$0x2] =	wrdreg s3  }
0xa9: {  	[dreg:$0x3] =	wrdreg s5  }
0xaa: {  	[dreg:$0x4] =	wrdreg $0xC0  }
0xab: {  	_ =	task [dreg:s7], $0x5FFFF  }
0xac: {  	[dreg:$0x1] =	wrdreg $0xFFFFFFFF  }
0xad: {  	[dreg:$0x0] =	wrdreg $0x60  }
0xae: {  	[dreg:$0x2] =	wrdreg s2  }
0xaf: {  	[dreg:$0x3] =	wrdreg s24  }
0xb0: {  	[dreg:$0x4] =	wrdreg $0xA8000  }
0xb1: {  	[dreg:$0x5] =	wrdreg $0x9  }
0xb2: {  	_ =	task.clear_ibuf [dreg:s7], $0x6FFFF;
	_ =	strace $0x90000049  }
0xb3: {  	s29 =	simm.s32 $0x9;
	_ =	strace $0x8000004B  }
0xb4: {  	_ =	swait.ge [sflag:s29], $0x1  }
0xb5: {  	[sflag:s29] =	ssyncadd.s32 $0xFFFFFFFF  }
0xb6: {  	_ =	strace $0x9000004B  }
0xb7: {  	_ =	sfence  }
0xb8: {  	s30 =	sld [smem:$0x0];
	_ =	sdelay $0x2  }
0xb9: {  	s31 =	sshll.u32 s1, $0xD;
	s1 =	sshrl.u32 s1, $0x2  }
0xba: {  	s3 =	sand.u32 $0x4000, s31;
	s1 =	sadd.s32 s1, s30  }
0xbb: {  	s0 =	sor.u32 s3, s0;
	s1 =	sshll.u32 s1, $0x11  }
0xbc: {  	s0 =	sor.u32 s1, s0  }
0xbd: {  	s0 =	sadd.s32 $0x8F2B, s0  }
0xbe: {  	[sflag:s0] =	ssyncadd.remote.s32 $0x1  }
0xbf: {  	_ =	sfence.sel $0xFFFF  }
0xc0: {  	[dreg:$0x0] =	wrdreg $0xFFFFFFFF;
	(pc) =	sbr.abs _section_cstart, $3  }
0xc1: {  	[dreg:$0x1] =	wrdreg $0xFFFFFFFF  }
0xc2: {  	_ =	task.clear_ibuf [dreg:s7], $0x2FFFF;
	_ =	strace $0x9FFFFFFF  }
0xc3: {  	(tm) =	ssettm $0x7FFFFFFF  }
tec
execute0_lowered:
.L_overlay_start_1:
0x0: {  	(tag) =	ssettag $0x1  }
0x1: {  	s9 =	rddreg [dreg:$0x0]  }
0x2: {  	s3 =	rddreg [dreg:$0x1]  }
0x3: {  	s1 =	rddreg [dreg:$0x2]  }
0x4: {  	s4 =	srdreg.scid;
	s0 =	rddreg [dreg:$0x3];
	s2 =	simm.s32 $0x0  }
0x5: {  	s15 =	simm.s32 $0x80;
	s16 =	simm.s32 $0x2800;
	s17 =	simm.s32 $0x6800  }
0x6: {  	s18 =	simm.s32 $0x1;
	s19 =	simm.s32 $0x2;
	s20 =	simm.s32 $0x3  }
0x7: {  	s21 =	simm.s32 $0x4;
	s22 =	simm.s32 $0x2700;
	s5 =	sand.u32 $0x1, s4  }
0x8: {  	s23 =	simm.s32 $0x2780;
	[smem:$0x7FF] =	sst s2;
	s6 =	smul.u32 $0x28000, s5  }
0x9: {  	s10 =	sadd.s32 $0x5EA00, s3;
	s4 =	sadd.s32 $0x68A00, s3;
	_ =	strace $0x8000004A  }
0xa: {  	s28 =	ssub.s32 $0x2, s5;
	s11 =	sadd.s32 s6, s3;
	s3 =	stileid.u32  }
0xb: {  	s5 =	sshll.u32 s5, $0x5;
	s12 =	sshrl.u32 s28, $0x1;
	s7 =	smul.u32 $0x50000, s3  }
0xc: {  	s12 =	ssub.s32 s28, s12;
	s8 =	sshll.u32 s3, $0x1;
	s24 =	smul.u32 $0x2800, s3  }
0xd: {  	s31 =	sshll.u32 s3, $0x6;
	s25 =	sadd.s32 $0x90A00, s11;
	s5 =	sor.u32 s8, s5  }
0xe: {  	s11 =	smax.u32 s12, $0x1;
	s6 =	sor.u32 $0x1C05, s31;
	s30 =	smul.u32 $0x1400, s5  }
0xf: {  	s29 =	sshrl.u32 s7, $0x2;
	s8 =	smul.u32 $0x280, s5;
	s5 =	sadd.s32 s4, s24  }
0x10: {  	s24 =	sadd.s32 s24, s25;
	s25 =	simm.s32 $0x0;
	s13 =	sadd.s32 s29, s1  }
0x11: {  	s14 =	sshrl.u32 s30, $0x3;
	s7 =	sadd.s32 s9, s8;
	s8 =	sadd.s32 s10, s8  }
0x12: {  	s12 =	sshrl.u32 s13, $0x3;
	s13 =	simm.s32 $0x5;
	s14 =	sadd.s32 $0x280, s14  }
0x13: {  	s9 =	sadd.s32 s9, s14;
	s10 =	sadd.s32 s10, s14;
	s14 =	simm.s32 $0x1400  }
.LBB2_1:
0x14: {  	[spmem:s12], [sflag:s6] =	dma.local [hbm:s5], $0x2800  }
0x15: {  	_ =	swait.ge [sflag:s13], $0x2800  }
0x16: {  	[sflag:s13] =	ssyncset.done $0x0  }
0x17: {  	[sflag:s13] =	ssyncadd.s32 $0xFFFFD800  }
0x18: {  	[bflag:$0x0] =	sbarrier.arrive $0xFFFF  }
0x19: {  	[tilespmem:s2], [sflag:$0x5] =	stream.linear.gather [hbm4b:s7+s2], $0x1400, $0x38;
	[tilespmem:$0x1E800] =	vst v63  }
0x1a: {  	_ =	swait.ge [sflag:s13], $0x1400  }
0x1b: {  	[sflag:s13] =	ssyncset.done $0x0  }
0x1c: {  	[sflag:s13] =	ssyncadd.s32 $0xFFFFEC00  }
0x1d: {  	[tilespmem:s14], [sflag:$0x5] =	stream.linear.gather [hbm4b:s8+s2], $0x1400, $0x38;
	[tilespmem:$0x1E800] =	vst v63  }
0x1e: {  	_ =	swait.ge [sflag:s13], $0x1400  }
0x1f: {  	[sflag:s13] =	ssyncset.done $0x0  }
0x20: {  	[sflag:s13] =	ssyncadd.s32 $0xFFFFEC00  }
0x21: {  	[tilespmem:s16], [sflag:$0x1] =	stream.indirect.gather [hbm4b:s4+s15], $0x80, s2, s15, $0xb8;
	[tilespmem:$0x1E800] =	vst v63  }
0x22: {  	_ = 	snop  }
0x23: {  	[tilespmem:s17], [sflag:$0x2] =	stream.indirect.gather [hbm4b:s4+s15], $0x80, s15, s15, $0xb8;
	[tilespmem:$0x1E800] =	vst v63  }
0x24: {  	_ =	swait.ge [sflag:s18], $0x4000  }
0x25: {  	[sflag:s18] =	ssyncset.done $0x0  }
0x26: {  	s26 =	simm.s32 $0x1400;
	[sflag:s18] =	ssyncadd.s32 $0xFFFFC000  }
0x27: {  	[spmem:s1] =	stream.indirect.scatter.add.f32 [tilespmem:s16], [sflag:$0x3], $0x80, s26, s15, $0xb8;
	[tilespmem:$0x1E800] =	vst v63  }
0x28: {  	_ =	swait.ge [sflag:s19], $0x4000  }
0x29: {  	[sflag:s19] =	ssyncset.done $0x0  }
0x2a: {  	s30 =	simm.s32 $0x1480;
	[sflag:s19] =	ssyncadd.s32 $0xFFFFC000  }
0x2b: {  	[spmem:s1] =	stream.indirect.scatter.add.f32 [tilespmem:s17], [sflag:$0x4], $0x80, s30, s15, $0xb8;
	[tilespmem:$0x1E800] =	vst v63  }
0x2c: {  	_ =	swait.ge [sflag:s20], $0x4000  }
0x2d: {  	[sflag:s20] =	ssyncset.done $0x0  }
0x2e: {  	s31 =	simm.s32 $0x100;
	[sflag:s20] =	ssyncadd.s32 $0xFFFFC000  }
0x2f: {  	[tilespmem:s16], [sflag:$0x1] =	stream.indirect.gather [hbm4b:s4+s15], $0x80, s31, s15, $0xb8;
	[tilespmem:$0x1E800] =	vst v63  }
0x30: {  	_ =	swait.ge [sflag:s21], $0x4000  }
0x31: {  	[sflag:s21] =	ssyncset.done $0x0  }
0x32: {  	s28 =	simm.s32 $0x180;
	s26 =	simm.s32 $0x400;
	[sflag:s21] =	ssyncadd.s32 $0xFFFFC000  }
.LBB2_2:
0x33: {  	[tilespmem:s17], [sflag:$0x2] =	stream.indirect.gather [hbm4b:s4+s15], $0x80, s28, s15, $0xb8;
	[tilespmem:$0x1E800] =	vst v63  }
0x34: {  	s28 =	smov.u32 s26  }
0x35: {  	p0 =	sne.s32 s26, $0x4800;
	s26 =	sadd.s32 $0x400, s26;
	_ =	swait.ge [sflag:s18], $0x4000  }
0x36: {  	s28 =	sshra.s32 s28, $0x2;
	[sflag:s18] =	ssyncset.done $0x0  }
0x37: {  	s29 =	sadd.s32 $0x1400, s28;
	[sflag:s18] =	ssyncadd.s32 $0xFFFFC000  }
0x38: {  	[spmem:s1] =	stream.indirect.scatter.add.f32 [tilespmem:s16], [sflag:$0x3], $0x80, s29, s15, $0xb8;
	[tilespmem:$0x1E800] =	vst v63  }
0x39: {  	_ =	swait.ge [sflag:s19], $0x4000  }
0x3a: {  	[sflag:s19] =	ssyncset.done $0x0  }
0x3b: {  	s29 =	sadd.s32 $0x1480, s28;
	[sflag:s19] =	ssyncadd.s32 $0xFFFFC000  }
0x3c: {  	[spmem:s1] =	stream.indirect.scatter.add.f32 [tilespmem:s17], [sflag:$0x4], $0x80, s29, s15, $0xb8;
	[tilespmem:$0x1E800] =	vst v63  }
0x3d: {  	_ =	swait.ge [sflag:s20], $0x4000  }
0x3e: {  	[sflag:s20] =	ssyncset.done $0x0  }
.Ltmp0:
0x3f: {  	s29 =	sadd.s32 $0x100, s28;
	[sflag:s20] =	ssyncadd.s32 $0xFFFFC000;
	(pc) =	sbr.rel @p0 .LBB2_2-.Ltmp0, $4  }
0x40: {  	[tilespmem:s16], [sflag:$0x1] =	stream.indirect.gather [hbm4b:s4+s15], $0x80, s29, s15, $0xb8;
	[tilespmem:$0x1E800] =	vst v63  }
0x41: {  	_ =	swait.ge [sflag:s21], $0x4000  }
0x42: {  	[sflag:s21] =	ssyncset.done $0x0  }
0x43: {  	s28 =	sadd.s32 $0x180, s28;
	[sflag:s21] =	ssyncadd.s32 $0xFFFFC000  }
0x44: {  	[tilespmem:s17], [sflag:$0x2] =	stream.indirect.gather [hbm4b:s4+s15], $0x80, s28, s15, $0xb8;
	[tilespmem:$0x1E800] =	vst v63  }
0x45: {  	_ =	swait.ge [sflag:s18], $0x4000  }
0x46: {  	[sflag:s18] =	ssyncset.done $0x0  }
0x47: {  	[sflag:s18] =	ssyncadd.s32 $0xFFFFC000  }
0x48: {  	[spmem:s1] =	stream.indirect.scatter.add.f32 [tilespmem:s16], [sflag:$0x3], $0x80, s22, s15, $0xb8;
	[tilespmem:$0x1E800] =	vst v63  }
0x49: {  	_ =	swait.ge [sflag:s19], $0x4000  }
0x4a: {  	[sflag:s19] =	ssyncset.done $0x0  }
0x4b: {  	[sflag:s19] =	ssyncadd.s32 $0xFFFFC000  }
0x4c: {  	[spmem:s1] =	stream.indirect.scatter.add.f32 [tilespmem:s17], [sflag:$0x4], $0x80, s23, s15, $0xb8;
	[tilespmem:$0x1E800] =	vst v63  }
0x4d: {  	_ =	swait.ge [sflag:s20], $0x4000  }
0x4e: {  	[sflag:s20] =	ssyncset.done $0x0  }
0x4f: {  	[sflag:s20] =	ssyncadd.s32 $0xFFFFC000  }
0x50: {  	_ =	swait.ge [sflag:s21], $0x4000  }
0x51: {  	[sflag:s21] =	ssyncset.done $0x0  }
0x52: {  	s26 =	simm.s32 $0x0;
	[sflag:s21] =	ssyncadd.s32 $0xFFFFC000  }
0x53: {  	[tilespmem:s26], [sflag:$0x5] =	stream.linear.gather [hbm4b:s9+s26], $0x1400, $0x38;
	[tilespmem:$0x1E800] =	vst v63  }
0x54: {  	_ =	swait.ge [sflag:s13], $0x1400  }
0x55: {  	[sflag:s13] =	ssyncset.done $0x0  }
0x56: {  	[sflag:s13] =	ssyncadd.s32 $0xFFFFEC00  }
0x57: {  	[tilespmem:s14], [sflag:$0x5] =	stream.linear.gather [hbm4b:s10+s26], $0x1400, $0x38;
	[tilespmem:$0x1E800] =	vst v63  }
0x58: {  	_ =	swait.ge [sflag:s13], $0x1400  }
0x59: {  	[sflag:s13] =	ssyncset.done $0x0  }
0x5a: {  	[sflag:s13] =	ssyncadd.s32 $0xFFFFEC00  }
0x5b: {  	[tilespmem:s16], [sflag:$0x1] =	stream.indirect.gather [hbm4b:s4+s15], $0x80, s26, s15, $0xb8;
	[tilespmem:$0x1E800] =	vst v63  }
0x5c: {  	_ = 	snop  }
0x5d: {  	[tilespmem:s17], [sflag:$0x2] =	stream.indirect.gather [hbm4b:s4+s15], $0x80, s15, s15, $0xb8;
	[tilespmem:$0x1E800] =	vst v63  }
0x5e: {  	_ =	swait.ge [sflag:s18], $0x4000  }
0x5f: {  	[sflag:s18] =	ssyncset.done $0x0  }
0x60: {  	s29 =	simm.s32 $0x1400;
	[sflag:s18] =	ssyncadd.s32 $0xFFFFC000  }
0x61: {  	[spmem:s1] =	stream.indirect.scatter.add.f32 [tilespmem:s16], [sflag:$0x3], $0x80, s29, s15, $0xb8;
	[tilespmem:$0x1E800] =	vst v63  }
0x62: {  	_ =	swait.ge [sflag:s19], $0x4000  }
0x63: {  	[sflag:s19] =	ssyncset.done $0x0  }
0x64: {  	s30 =	simm.s32 $0x1480;
	[sflag:s19] =	ssyncadd.s32 $0xFFFFC000  }
0x65: {  	[spmem:s1] =	stream.indirect.scatter.add.f32 [tilespmem:s17], [sflag:$0x4], $0x80, s30, s15, $0xb8;
	[tilespmem:$0x1E800] =	vst v63  }
0x66: {  	_ =	swait.ge [sflag:s20], $0x4000  }
0x67: {  	[sflag:s20] =	ssyncset.done $0x0  }
0x68: {  	s31 =	simm.s32 $0x100;
	[sflag:s20] =	ssyncadd.s32 $0xFFFFC000  }
0x69: {  	[tilespmem:s16], [sflag:$0x1] =	stream.indirect.gather [hbm4b:s4+s15], $0x80, s31, s15, $0xb8;
	[tilespmem:$0x1E800] =	vst v63  }
0x6a: {  	_ =	swait.ge [sflag:s21], $0x4000  }
0x6b: {  	[sflag:s21] =	ssyncset.done $0x0  }
0x6c: {  	s28 =	simm.s32 $0x180;
	s26 =	simm.s32 $0x400;
	[sflag:s21] =	ssyncadd.s32 $0xFFFFC000  }
.LBB2_4:
0x6d: {  	[tilespmem:s17], [sflag:$0x2] =	stream.indirect.gather [hbm4b:s4+s15], $0x80, s28, s15, $0xb8;
	[tilespmem:$0x1E800] =	vst v63  }
0x6e: {  	s28 =	smov.u32 s26  }
0x6f: {  	p0 =	sne.s32 s26, $0x4800;
	s26 =	sadd.s32 $0x400, s26;
	_ =	swait.ge [sflag:s18], $0x4000  }
0x70: {  	s28 =	sshra.s32 s28, $0x2;
	[sflag:s18] =	ssyncset.done $0x0  }
0x71: {  	s29 =	sadd.s32 $0x1400, s28;
	[sflag:s18] =	ssyncadd.s32 $0xFFFFC000  }
0x72: {  	[spmem:s1] =	stream.indirect.scatter.add.f32 [tilespmem:s16], [sflag:$0x3], $0x80, s29, s15, $0xb8;
	[tilespmem:$0x1E800] =	vst v63  }
0x73: {  	_ =	swait.ge [sflag:s19], $0x4000  }
0x74: {  	[sflag:s19] =	ssyncset.done $0x0  }
0x75: {  	s29 =	sadd.s32 $0x1480, s28;
	[sflag:s19] =	ssyncadd.s32 $0xFFFFC000  }
0x76: {  	[spmem:s1] =	stream.indirect.scatter.add.f32 [tilespmem:s17], [sflag:$0x4], $0x80, s29, s15, $0xb8;
	[tilespmem:$0x1E800] =	vst v63  }
0x77: {  	_ =	swait.ge [sflag:s20], $0x4000  }
0x78: {  	[sflag:s20] =	ssyncset.done $0x0  }
.Ltmp1:
0x79: {  	s29 =	sadd.s32 $0x100, s28;
	[sflag:s20] =	ssyncadd.s32 $0xFFFFC000;
	(pc) =	sbr.rel @p0 .LBB2_4-.Ltmp1, $4  }
0x7a: {  	[tilespmem:s16], [sflag:$0x1] =	stream.indirect.gather [hbm4b:s4+s15], $0x80, s29, s15, $0xb8;
	[tilespmem:$0x1E800] =	vst v63  }
0x7b: {  	_ =	swait.ge [sflag:s21], $0x4000  }
0x7c: {  	[sflag:s21] =	ssyncset.done $0x0  }
0x7d: {  	s28 =	sadd.s32 $0x180, s28;
	[sflag:s21] =	ssyncadd.s32 $0xFFFFC000  }
0x7e: {  	[tilespmem:s17], [sflag:$0x2] =	stream.indirect.gather [hbm4b:s4+s15], $0x80, s28, s15, $0xb8;
	[tilespmem:$0x1E800] =	vst v63  }
0x7f: {  	_ =	swait.ge [sflag:s18], $0x4000  }
0x80: {  	[sflag:s18] =	ssyncset.done $0x0  }
0x81: {  	[sflag:s18] =	ssyncadd.s32 $0xFFFFC000  }
0x82: {  	[spmem:s1] =	stream.indirect.scatter.add.f32 [tilespmem:s16], [sflag:$0x3], $0x80, s22, s15, $0xb8;
	[tilespmem:$0x1E800] =	vst v63  }
0x83: {  	_ =	swait.ge [sflag:s19], $0x4000  }
0x84: {  	[sflag:s19] =	ssyncset.done $0x0  }
0x85: {  	[sflag:s19] =	ssyncadd.s32 $0xFFFFC000  }
0x86: {  	[spmem:s1] =	stream.indirect.scatter.add.f32 [tilespmem:s17], [sflag:$0x4], $0x80, s23, s15, $0xb8;
	[tilespmem:$0x1E800] =	vst v63  }
0x87: {  	_ =	swait.ge [sflag:s20], $0x4000  }
0x88: {  	[sflag:s20] =	ssyncset.done $0x0  }
0x89: {  	[sflag:s20] =	ssyncadd.s32 $0xFFFFC000  }
0x8a: {  	_ =	swait.ge [sflag:s21], $0x4000  }
0x8b: {  	s25 =	sadd.s32 $0x1, s25;
	[sflag:s21] =	ssyncset.done $0x0  }
0x8c: {  	p0 =	sne.s32 s25, s11;
	[sflag:s21] =	ssyncadd.s32 $0xFFFFC000  }
.Ltmp2:
0x8d: {  	[bflag:$0x0] =	sbarrier.arrive $0xFFFF;
	(pc) =	sbr.rel @p0 .LBB2_1-.Ltmp2, $4  }
0x8e: {  	[hbm:s24], [sflag:s6] =	dma.local [spmem:s12], $0x2800  }
0x8f: {  	_ =	swait.ge [sflag:s13], $0x2800  }
0x90: {  	[sflag:s13] =	ssyncset.done $0x0  }
0x91: {  	[sflag:s13] =	ssyncadd.s32 $0xFFFFD800  }
0x92: {  	_ =	sfence.sel $0x180000  }
0x93: {  	[bflag:$0x0] =	sbarrier.arrive $0xFFFF  }
0x94: {  	p0 =	sne.s32 s3, $0x0;
	_ =	strace $0x9000004A  }
0x95: {  	s0 =	sadd.s32 @!p0 $0x100000, s0;
	[bflag:$0x2] =	sbarrier.arrive $0xFFFF  }
0x96: {  	[sflag:s0] =	ssyncadd.tile.s32 @!p0 $0x1;
	_ =	shalt  }
.Lfunc_end2:
_tile_overlayer_lowered:
.L_overlay_start_2:
0x97: {  	(tag) =	ssettag $0x2  }
0x98: {  	s0 =	rddreg [dreg:$0x0];
	s2 =	stileid.u32  }
0x99: {  	s1 =	rddreg [dreg:$0x1];
	p0 =	sne.s32 s2, $0x0  }
0x9a: {  	s3 =	rddreg [dreg:$0x2];
	[bflag:$0x3] =	sbarrier.arrive $0xFFFF;
	s2 =	simm.s32 @!p0 $0x1C05  }
0x9b: {  	[timem:s3], [sflag:s2] =	dma.local @!p0 [hbm:s0], s1  }
0x9c: {  	s0 =	simm.s32 @!p0 $0x5  }
0x9d: {  	_ =	swait.ge @!p0 [sflag:s0], s1  }
0x9e: {  	s1 =	ssub.s32 @!p0 $0x0, s1;
	[sflag:s0] =	ssyncset.done @!p0 $0x0  }
0x9f: {  	[sflag:s0] =	ssyncadd.s32 @!p0 s1  }
0xa0: {  	[bflag:$0x3] =	sbarrier.arrive $0xFFFF  }
0xa1: {  	_ =	shalt  }

// kernel: kernel.7.cloned.1.call-start
scs
__scs_entry_jumppad:
0x0: {  	(pc) =	sbr.rel $0x88, $3  }
0x1: {  	(tag) =	ssettag $0x0;
	lr =	simm.s32 $0x1  }
0x2: {  	[smem:$0x3F9B] =	sst lr;
	_ =	strace $0xD0000000  }
0x3: {  	_ = 	snop  }
0x4: {  	_ = 	snop  }
0x5: {  	_ = 	snop  }
0x6: {  	_ = 	snop  }
0x7: {  	_ = 	snop  }
__scs_overlays_trampoline_lowered:
0x8: {  	[smem:$0x3FAA] =	sst s0  }
0x9: {  	[smem:$0x3FAB] =	sst s1  }
0xa: {  	[smem:$0x3FAC] =	sst s2  }
0xb: {  	[smem:$0x3FAD] =	sst s3  }
0xc: {  	[smem:$0x3FAE] =	sst s4  }
0xd: {  	[smem:$0x3FAF] =	sst s5  }
0xe: {  	[smem:$0x3FB0] =	sst s6  }
0xf: {  	[smem:$0x3FB1] =	sst s7  }
0x10: {  	[smem:$0x3FB2] =	sst s8  }
0x11: {  	[smem:$0x3FB3] =	sst s9;
	s0 =	simm.s32 @!p0 $0x0  }
0x12: {  	s1 =	sld [smem:$0x3F99];
	s0 =	simm.s32 @p0 $0x1  }
0x13: {  	[smem:$0x3FB4] =	sst s0;
	s0 =	simm.s32 @!p1 $0x0  }
0x14: {  	s2 =	sld [smem:$0x3F98];
	s0 =	simm.s32 @p1 $0x1  }
0x15: {  	[smem:$0x3FB5] =	sst s0;
	s0 =	simm.s32 @!p2 $0x0  }
0x16: {  	s3 =	sld [smem:$0x3FDB];
	s0 =	simm.s32 @p2 $0x1  }
0x17: {  	s4 =	simm.s32 $0x1BF5;
	[smem:$0x3FB7] =	sst s0  }
0x18: {  	s0 =	sld [smem:$0x3F9A];
	_ =	swait.ge [sflag:s4], $0x0  }
0x19: {  	s7 =	sld [smem:$0x3F9B]  }
0x1a: {  	s8 =	sadd.s32 $0xFFFFE003, lr  }
0x1b: {  	s9 =	sadd.s32 $0xFFFFFEF7, lr;
	s5 =	simm.s32 $0xFFFFFFFF;
	p2 =	slt.u32 s8, $0xFFFFF086  }
0x1c: {  	p1 =	slt.u32 s9, $0xF7A;
	s5 =	simm.s32 @!p2 $0x0  }
0x1d: {  	s5 =	simm.s32 @p1 $0x1;
	p0 =	seq.s32 s7, s2  }
0x1e: {  	s7 =	smul.u32 @!p0 $0xF7A, s2;
	p2 =	seq.s32 @!p0 s5, $0x0  }
0x1f: {  	s9 =	smul.u32 $0xF7A, s1;
	s8 =	simm.s32 @!p0 $0x1BF5;
	p2 =	por !p2, p0  }
0x20: {  	[sflag:s8] =	ssyncset.s32 @!p0 $0xFFFFF086;
	s6 =	sadd.s32 @!p0 s3, s7;
	s7 =	simm.s32 @!p0 $0x108  }
0x21: {  	s3 =	sadd.s32 s3, s9;
	s6 =	sadd.s32 @!p0 $0x88, s6;
	s7 =	simm.s32 @p2 $0x1082  }
0x22: {  	[simem:s7], [sflag:s8] =	dma.local @!p0 [hbm:s6], $0xF7A  }
0x23: {  	s9 =	sor.u32 $0xD0000000, s2;
	s6 =	simm.s32 $0x108;
	_ =	swait.ge @!p0 [sflag:s8], $0x0  }
0x24: {  	s3 =	sadd.s32 $0x88, s3;
	s6 =	simm.s32 @!p1 $0x1082;
	[sflag:s4] =	ssyncset.s32 $0xFFFFF086  }
0x25: {  	[simem:s6], [sflag:s4] =	dma.local [hbm:s3], $0xF7A  }
0x26: {  	[smem:$0x3F9B] =	sst s1;
	(tag) =	ssettag s2;
	_ =	strace s9  }
0x27: {  	s1 =	sld [smem:$0x3FAB]  }
0x28: {  	s2 =	sld [smem:$0x3FAC]  }
0x29: {  	s4 =	sld [smem:$0x3FAE]  }
0x2a: {  	p0 =	seq.s32 s5, $0x0;
	s5 =	sld [smem:$0x3FAF]  }
0x2b: {  	s6 =	sld [smem:$0x3FB0]  }
0x2c: {  	s7 =	sld [smem:$0x3FB1]  }
0x2d: {  	s3 =	simm.s32 $0x108;
	s8 =	sld [smem:$0x3FB2]  }
0x2e: {  	s3 =	simm.s32 @!p0 $0x1082;
	s9 =	sld [smem:$0x3FB3]  }
0x2f: {  	lr =	sadd.s32 s0, s3;
	s0 =	sld [smem:$0x3FAA]  }
0x30: {  	s3 =	sld [smem:$0x3FAD]  }
0x31: {  	[smem:$0x3FB6] =	sst s10  }
0x32: {  	s10 =	sld [smem:$0x3FB4];
	_ =	sdelay $0x3  }
0x33: {  	p0 =	seq.s32 s10, $0x1;
	s10 =	sld [smem:$0x3FB6];
	_ =	sdelay $0x3  }
0x34: {  	[smem:$0x3FB6] =	sst s10  }
0x35: {  	s10 =	sld [smem:$0x3FB5];
	_ =	sdelay $0x3  }
0x36: {  	p1 =	seq.s32 s10, $0x1;
	s10 =	sld [smem:$0x3FB6];
	_ =	sdelay $0x3  }
0x37: {  	[smem:$0x3FB6] =	sst s10  }
0x38: {  	s10 =	sld [smem:$0x3FB7]  }
0x39: {  	_ = 	snop;
	(pc) =	sbr.ind lr, $3  }
0x3a: {  	_ = 	snop  }
0x3b: {  	_ = 	snop  }
0x3c: {  	p2 =	seq.s32 s10, $0x1;
	s10 =	sld [smem:$0x3FB6]  }
0x3d: {  	_ =	shalt  }
0x3e: {  	_ =	shalt  }
0x3f: {  	_ =	shalt  }
0x40: {  	_ =	shalt  }
0x41: {  	_ =	shalt  }
0x42: {  	_ =	shalt  }
0x43: {  	_ =	shalt  }
0x44: {  	_ =	shalt  }
0x45: {  	_ =	shalt  }
0x46: {  	_ =	shalt  }
0x47: {  	_ =	shalt  }
0x48: {  	_ =	shalt  }
0x49: {  	_ =	shalt  }
0x4a: {  	_ =	shalt  }
0x4b: {  	_ =	shalt  }
0x4c: {  	_ =	shalt  }
0x4d: {  	_ =	shalt  }
0x4e: {  	_ =	shalt  }
0x4f: {  	_ =	shalt  }
0x50: {  	_ =	shalt  }
0x51: {  	_ =	shalt  }
0x52: {  	_ =	shalt  }
0x53: {  	_ =	shalt  }
0x54: {  	_ =	shalt  }
0x55: {  	_ =	shalt  }
0x56: {  	_ =	shalt  }
0x57: {  	_ =	shalt  }
0x58: {  	_ =	shalt  }
0x59: {  	_ =	shalt  }
0x5a: {  	_ =	shalt  }
0x5b: {  	_ =	shalt  }
0x5c: {  	_ =	shalt  }
0x5d: {  	_ =	shalt  }
0x5e: {  	_ =	shalt  }
0x5f: {  	_ =	shalt  }
0x60: {  	_ =	shalt  }
0x61: {  	_ =	shalt  }
0x62: {  	_ =	shalt  }
0x63: {  	_ =	shalt  }
0x64: {  	_ =	shalt  }
0x65: {  	_ =	shalt  }
0x66: {  	_ =	shalt  }
0x67: {  	_ =	shalt  }
0x68: {  	_ =	shalt  }
0x69: {  	_ =	shalt  }
0x6a: {  	_ =	shalt  }
0x6b: {  	_ =	shalt  }
0x6c: {  	_ =	shalt  }
0x6d: {  	_ =	shalt  }
0x6e: {  	_ =	shalt  }
0x6f: {  	_ =	shalt  }
0x70: {  	_ =	shalt  }
0x71: {  	_ =	shalt  }
0x72: {  	_ =	shalt  }
0x73: {  	_ =	shalt  }
0x74: {  	_ =	shalt  }
0x75: {  	_ =	shalt  }
0x76: {  	_ =	shalt  }
0x77: {  	_ =	shalt  }
0x78: {  	_ =	shalt  }
0x79: {  	_ =	shalt  }
0x7a: {  	_ =	shalt  }
0x7b: {  	_ =	shalt  }
0x7c: {  	_ =	shalt  }
0x7d: {  	_ =	shalt  }
0x7e: {  	_ =	shalt  }
0x7f: {  	_ =	shalt  }
0x80: {  	_ =	shalt  }
0x81: {  	_ =	shalt  }
0x82: {  	_ =	shalt  }
0x83: {  	_ =	shalt  }
0x84: {  	_ =	shalt  }
0x85: {  	_ =	shalt  }
0x86: {  	_ =	shalt  }
0x87: {  	_ =	shalt  }
.Lfunc_end0:
.L_simem_size_0:
called_computation_lowered:
.L_overlay_start_0:
0x88: {  	s2 =	sld [smem:$0x3FD9]  }
0x89: {  	s3 =	sld [smem:$0x3FFE];
	_ =	sdelay $0x1  }
0x8a: {  	s1 =	srdreg.scid  }
0x8b: {  	s0 =	sand.u32 $0x1, s1  }
0x8c: {  	s16 =	sshll.u32 s0, $0xA;
	s2 =	sadd.s32 s3, s2  }
0x8d: {  	s2 =	sadd.s32 s2, s16  }
0x8e: {  	[smem:$0x3FC2] =	sst s2  }
0x8f: {  	_ = 	snop  }
0x90: {  	(tm) =	ssettm $0x1  }
0x91: {  	s17 =	sld [smem:$0x3FFB];
	_ =	sdelay $0x3  }
0x92: {  	_ =	strace s17  }
0x93: {  	s2 =	sld [smem:$0x3FFC];
	_ =	sdelay $0x3  }
0x94: {  	_ =	strace s2  }
0x95: {  	s2 =	sld [smem:$0x3FFD];
	_ =	sdelay $0x3  }
0x96: {  	_ =	strace s2  }
0x97: {  	_ =	strace $0x8FFFFFFF  }
0x98: {  	s18 =	sld [smem:$0x3FDB];
	_ =	sdelay $0x1  }
0x99: {  	s19 =	simm.s32 $_scs_section_size  }
0x9a: {  	s4 =	simm.s32 $_size__tile_overlayer_lowered;
	s5 =	simm.s32 $_tile_overlayer_lowered  }
0x9b: {  	s22 =	simm.s32 $0x1BFF;
	s21 =	sshll.u32 s5, $0x1;
	s2 =	sadd.s32 s19, s18  }
0x9c: {  	s6 =	simm.s32 $0x0;
	s20 =	sshll.u32 s4, $0x1;
	s4 =	sadd.s32 s21, s2  }
0x9d: {  	[timem:s6], [sflag:s22] =	dma.local [hbm:s4], s20  }
0x9e: {  	_ =	swait.ge [sflag:s22], s20  }
0x9f: {  	s3 =	ssub.s32 $0x0, s20;
	[sflag:s22] =	ssyncset.done $0x0  }
0xa0: {  	[sflag:s22] =	ssyncadd.s32 s3;
	_ =	sdelay $0x1  }
0xa1: {  	s23 =	simm.s32 $0x1B8B  }
0xa2: {  	_ =	swait.ge [sflag:s23], $0x1  }
0xa3: {  	[sflag:s23] =	ssyncset.done $0x0  }
0xa4: {  	s25 =	simm.s32 $0x1B8E;
	s24 =	sld [smem:$0x3FFE];
	[sflag:s23] =	ssyncadd.s32 $0xFFFFFFFF  }
0xa5: {  	s26 =	simm.s32 $execute0_lowered;
	[smem:$0x3FD2] =	sst s25  }
0xa6: {  	s4 =	sshll.u32 s26, $0x1;
	_ =	strace $0x80000046;
	[dreg:$0x1] =	wrdreg $0xFFFFFFFF  }
0xa7: {  	s28 =	simm.s32 $_size_execute0_lowered;
	s2 =	sadd.s32 s2, s4;
	[dreg:$0x0] =	wrdreg $0x0  }
0xa8: {  	s4 =	sshll.u32 s28, $0x1;
	[dreg:$0x2] =	wrdreg s2  }
0xa9: {  	[dreg:$0x3] =	wrdreg s4  }
0xaa: {  	[dreg:$0x4] =	wrdreg $0xC0  }
0xab: {  	_ =	task [dreg:s6], $0x5FFFF  }
0xac: {  	[dreg:$0x1] =	wrdreg $0xFFFFFFFF  }
0xad: {  	[dreg:$0x0] =	wrdreg $0x60  }
0xae: {  	[dreg:$0x2] =	wrdreg s24  }
0xaf: {  	[dreg:$0x3] =	wrdreg $0x68000  }
0xb0: {  	[dreg:$0x4] =	wrdreg $0x9  }
0xb1: {  	_ =	task.clear_ibuf [dreg:s6], $0x5FFFF;
	_ =	strace $0x90000046  }
0xb2: {  	s29 =	simm.s32 $0x9;
	_ =	strace $0x80000048  }
0xb3: {  	_ =	swait.ge [sflag:s29], $0x1  }
0xb4: {  	[sflag:s29] =	ssyncadd.s32 $0xFFFFFFFF  }
0xb5: {  	_ =	strace $0x90000048  }
0xb6: {  	_ =	sfence  }
0xb7: {  	s30 =	sld [smem:$0x0];
	_ =	sdelay $0x2  }
0xb8: {  	s31 =	sshll.u32 s1, $0xD;
	s1 =	sshrl.u32 s1, $0x2  }
0xb9: {  	s3 =	sand.u32 $0x4000, s31;
	s1 =	sadd.s32 s1, s30  }
0xba: {  	s0 =	sor.u32 s3, s0;
	s1 =	sshll.u32 s1, $0x11  }
0xbb: {  	s0 =	sor.u32 s1, s0  }
0xbc: {  	s0 =	sadd.s32 $0x8F2B, s0  }
0xbd: {  	[sflag:s0] =	ssyncadd.remote.s32 $0x1  }
0xbe: {  	_ =	sfence.sel $0xFFFF  }
0xbf: {  	[dreg:$0x0] =	wrdreg $0xFFFFFFFF;
	(pc) =	sbr.abs _section_cstart, $3  }
0xc0: {  	[dreg:$0x1] =	wrdreg $0xFFFFFFFF  }
0xc1: {  	_ =	task.clear_ibuf [dreg:s6], $0x2FFFF;
	_ =	strace $0x9FFFFFFF  }
0xc2: {  	(tm) =	ssettm $0x7FFFFFFF  }
0xc3: {  	_ =	shalt  }
tec
execute0_lowered:
.L_overlay_start_1:
0x0: {  	(tag) =	ssettag $0x1  }
0x1: {  	s7 =	rddreg [dreg:$0x0]  }
0x2: {  	s0 =	srdreg.scid;
	s2 =	rddreg [dreg:$0x1]  }
0x3: {  	s3 =	simm.s32 $0x0;
	s12 =	simm.s32 $0x80;
	s6 =	sand.u32 $0x1, s0  }
0x4: {  	s13 =	simm.s32 $0x1;
	s0 =	stileid.u32;
	s8 =	smul.u32 $0x28000, s6  }
0x5: {  	[smem:$0x7FF] =	sst s3;
	s5 =	sadd.s32 $0xBA00, s7;
	s10 =	smul.u32 $0x50000, s0  }
0x6: {  	s1 =	sshll.u32 s6, $0x4;
	s6 =	ssub.s32 $0x2, s6;
	s15 =	smul.u32 $0x2800, s0  }
0x7: {  	s31 =	sshll.u32 s0, $0x6;
	s4 =	sor.u32 s0, s1;
	s1 =	rddreg [dreg:$0x2]  }
0x8: {  	_ =	strace $0x80000047;
	s4 =	smul.u32 $0x500, s4;
	s10 =	sshrl.u32 s10, $0x2  }
0x9: {  	s30 =	sshrl.u32 s6, $0x1;
	s11 =	sadd.s32 s10, s2;
	s10 =	sor.u32 $0x1C02, s31  }
0xa: {  	s9 =	sadd.s32 s4, s7;
	s4 =	sadd.s32 $0xC200, s7;
	s7 =	sadd.s32 s8, s7  }
0xb: {  	s8 =	ssub.s32 s6, s30;
	s11 =	sshrl.u32 s11, $0x3;
	s6 =	sadd.s32 $0x1A00, s9  }
0xc: {  	s14 =	sadd.s32 $0xEA00, s7;
	s7 =	smax.u32 s8, $0x1;
	s8 =	simm.s32 $0x2  }
0xd: {  	s9 =	simm.s32 $0x2800;
	s14 =	sadd.s32 s15, s14;
	s15 =	simm.s32 $0x0  }
.LBB2_1:
0xe: {  	[tilespmem:s3], [sflag:$0x2] =	stream.linear.gather [hbm4b:s6+s3], $0x2800, $0x38;
	[tilespmem:$0x1A800] =	vst v63  }
0xf: {  	_ =	swait.ge [sflag:s8], $0x2800  }
0x10: {  	[sflag:s8] =	ssyncset.done $0x0  }
0x11: {  	[sflag:s8] =	ssyncadd.s32 $0xFFFFD800  }
0x12: {  	[tilespmem:s9], [sflag:$0x2] =	stream.linear.gather [hbm4b:s5+s3], $0x4000, $0x38;
	[tilespmem:$0x1A800] =	vst v63  }
0x13: {  	_ =	swait.ge [sflag:s8], $0x4000  }
0x14: {  	[sflag:s8] =	ssyncset.done $0x0  }
0x15: {  	[sflag:s8] =	ssyncadd.s32 $0xFFFFC000  }
0x16: {  	[spmem:s11], [sflag:s10] =	dma.local [hbm:s4], $0x2800  }
0x17: {  	_ =	swait.ge [sflag:s8], $0x2800  }
0x18: {  	[sflag:s8] =	ssyncset.done $0x0  }
0x19: {  	[sflag:s8] =	ssyncadd.s32 $0xFFFFD800  }
0x1a: {  	s16 =	simm.s32 $0x0;
	[bflag:$0x0] =	sbarrier.arrive $0xFFFF  }
.LBB2_2:
0x1b: {  	p0 =	sne.s32 s16, $0x9E00  }
.Ltmp0:
0x1c: {  	_ = 	snop;
	(pc) =	sbr.rel @p0 .LBB2_2-.Ltmp0, $3  }
0x1d: {  	_ =	sdelay $0x1  }
0x1e: {  	s17 =	sshra.s32 s16, $0x2;
	s16 =	sadd.s32 $0x200, s16  }
0x1f: {  	[spmem:s2] =	stream.indirect.scatter.add.f32 [tilespmem:s9], [sflag:$0x1], $0x80, s17, s12, $0xb8;
	[tilespmem:$0x1A800] =	vst v63  }
0x20: {  	_ =	swait.ge [sflag:s13], $0x4000  }
0x21: {  	s16 =	simm.s32 $0x4F;
	[sflag:s13] =	ssyncset.done $0x0  }
.LBB2_4:
0x22: {  	p0 =	sne.s32 s16, $0x1;
	s16 =	sadd.s32 $0xFFFFFFFF, s16;
	[sflag:s13] =	ssyncadd.s32 $0xFFFFC000  }
.Ltmp1:
0x23: {  	(pc) =	sbr.rel @p0 .LBB2_4-.Ltmp1, $3  }
0x24: {  	_ =	sdelay $0x1  }
0x25: {  	_ =	swait.ge [sflag:s13], $0x4000  }
0x26: {  	[sflag:s13] =	ssyncset.done $0x0  }
0x27: {  	s15 =	sadd.s32 $0x1, s15  }
0x28: {  	[sflag:s13] =	ssyncadd.s32 $0xFFFFC000;
	p0 =	sne.s32 s15, s7  }
.Ltmp2:
0x29: {  	[bflag:$0x0] =	sbarrier.arrive $0xFFFF;
	(pc) =	sbr.rel @p0 .LBB2_1-.Ltmp2, $4  }
0x2a: {  	[hbm:s14], [sflag:s10] =	dma.local [spmem:s11], $0x2800  }
0x2b: {  	_ =	swait.ge [sflag:s8], $0x2800  }
0x2c: {  	[sflag:s8] =	ssyncset.done $0x0  }
0x2d: {  	[sflag:s8] =	ssyncadd.s32 $0xFFFFD800  }
0x2e: {  	_ =	sfence.sel $0x180000  }
0x2f: {  	[bflag:$0x0] =	sbarrier.arrive $0xFFFF  }
0x30: {  	p0 =	sne.s32 s0, $0x0;
	_ =	strace $0x90000047  }
0x31: {  	s0 =	sadd.s32 @!p0 $0x100000, s1;
	[bflag:$0x2] =	sbarrier.arrive $0xFFFF  }
0x32: {  	[sflag:s0] =	ssyncadd.tile.s32 @!p0 $0x1;
	_ =	shalt  }
.Lfunc_end2:
_tile_overlayer_lowered:
.L_overlay_start_2:
0x33: {  	(tag) =	ssettag $0x2  }
0x34: {  	s0 =	rddreg [dreg:$0x0];
	s2 =	stileid.u32  }
0x35: {  	s1 =	rddreg [dreg:$0x1];
	p0 =	sne.s32 s2, $0x0  }
0x36: {  	s3 =	rddreg [dreg:$0x2];
	[bflag:$0x3] =	sbarrier.arrive $0xFFFF;
	s2 =	simm.s32 @!p0 $0x1C02  }
0x37: {  	[timem:s3], [sflag:s2] =	dma.local @!p0 [hbm:s0], s1  }
0x38: {  	s0 =	simm.s32 @!p0 $0x2  }
0x39: {  	_ =	swait.ge @!p0 [sflag:s0], s1  }
0x3a: {  	s1 =	ssub.s32 @!p0 $0x0, s1;
	[sflag:s0] =	ssyncset.done @!p0 $0x0  }
0x3b: {  	[sflag:s0] =	ssyncadd.s32 @!p0 s1  }
0x3c: {  	[bflag:$0x3] =	sbarrier.arrive $0xFFFF  }
0x3d: {  	_ =	shalt  }

</sc_bundles>
